<compile_context>
chip_gen: v7x
topology: tpu7x:2x2x1
jax: 0.10.2.dev20260603
libtpu: 0.0.44.dev20260713+nightly
codegen_flags: <defaults>
</compile_context>

<pallas_src>
import functools

import jax
import jax.numpy as jnp
from jax import lax
from jax.experimental import pallas as pl
from jax.experimental.pallas import tpu as pltpu
from jax.experimental.pallas import tpu_sc as plsc

_HID = 128
_VOCAB = 32
_NCORES = 2
_NSUB = 16
_NW = _NCORES * _NSUB
_C = 128
_NBUF = 5
_LEAD = 3


def _sc_embed(ids2d, table):
    n_rows = ids2d.shape[0] * _C
    b_per_w = n_rows // _NW
    chunks = b_per_w // _C
    quads = chunks // _NBUF
    mesh = plsc.VectorSubcoreMesh(core_axis_name="c", subcore_axis_name="s")

    @functools.partial(
        pl.kernel,
        mesh=mesh,
        out_type=jax.ShapeDtypeStruct((n_rows, _HID), jnp.float32),
        scratch_types=[
            pltpu.VMEM((_NBUF, _C), jnp.int32),
            pltpu.VMEM((_NBUF, _C, _HID), jnp.float32),
            pltpu.VMEM_SHARED((_VOCAB, _HID), jnp.float32),
        ] + [pltpu.SemaphoreType.DMA] * (3 * _NBUF),
    )
    def run(ids_hbm, table_hbm, out_hbm, idx_v, rows_v, table_s, *sems):
        sg = sems[:_NBUF]
        so = sems[_NBUF:2 * _NBUF]
        si = sems[2 * _NBUF:]
        wid = lax.axis_index("s") * _NCORES + lax.axis_index("c")
        row0 = wid * b_per_w
        irow0 = row0 // _C

        @pl.when(lax.axis_index("s") == 0)
        def _():
            pltpu.sync_copy(table_hbm, table_s)

        plsc.subcore_barrier()

        def ids_copy(b, chunk):
            return pltpu.make_async_copy(
                ids_hbm.at[irow0 + chunk], idx_v.at[b], si[b])

        def fire_gather(b):
            pltpu.async_copy(table_s.at[idx_v.at[b]], rows_v.at[b], sg[b])

        def wait_gather(b):
            pltpu.make_async_copy(
                table_s.at[idx_v.at[b]], rows_v.at[b], sg[b]).wait()

        def fire_out(b, chunk):
            pltpu.async_copy(
                rows_v.at[b], out_hbm.at[pl.ds((irow0 + chunk) * _C, _C)],
                so[b])

        def wait_out(b, chunk):
            pltpu.make_async_copy(
                rows_v.at[b], out_hbm.at[pl.ds((irow0 + chunk) * _C, _C)],
                so[b]).wait()

        for c in range(_LEAD):
            ids_copy(c, c).start()
        for c in range(_LEAD):
            ids_copy(c, c).wait()
            fire_gather(c)
        ids_copy(_LEAD % _NBUF, _LEAD).start()

        lag = _NBUF - _LEAD

        def body(q, carry):
            c0 = q * _NBUF
            for b in range(_NBUF):
                c = c0 + b
                wait_gather(b)
                fire_out(b, c)
                bn = (b + _LEAD) % _NBUF
                @pl.when(c >= lag)
                def _():
                    wait_out(bn, c - lag)

                @pl.when(c + _LEAD < chunks)
                def _():
                    ids_copy(bn, c + _LEAD).wait()
                    fire_gather(bn)
                bn2 = (b + _LEAD + 1) % _NBUF
                @pl.when(c + 1 + _LEAD < chunks)
                def _():
                    ids_copy(bn2, c + 1 + _LEAD).start()
            return carry

        lax.fori_loop(0, quads, body, 0)
        for k in range(lag):
            c = chunks - lag + k
            wait_out(c % _NBUF, c)

    return run(ids2d, table)


def kernel(input_ids, attention_mask, emb_table):
    del attention_mask
    b, l = input_ids.shape
    n = b * l
    ids2d = input_ids.astype(jnp.int32).reshape(n // _C, _C)
    out = _sc_embed(ids2d, emb_table)
    return out.reshape(b, l, _HID)

# --- scband reference (transcript-rebuilt; emitter-appended) ---
"""Pipeline reference for scband-tiny-hfencoder-82944408420356 (READ-ONLY COPY).

The authoritative reference and input builder live on the scoring server;
editing this copy changes nothing except your own understanding.
"""

import jax, jax.numpy as jnp
import numpy as np

VOCAB = 32
HIDDEN = 128
B, L = 16384, 200

def setup_inputs(seed: int = 0) -> dict:
    key = jax.random.key(seed)
    k1, k2 = jax.random.split(key)
    input_ids = jax.random.randint(k1, (B, L), 0, VOCAB, dtype=jnp.int64 if jax.config.jax_enable_x64 else jnp.int32)
    attention_mask = jnp.ones((B, L), dtype=input_ids.dtype)
    emb_table = jax.random.normal(k2, (VOCAB, HIDDEN), dtype=jnp.float32)
    return {"input_ids": input_ids, "attention_mask": attention_mask, "emb_table": emb_table}

def reference(input_ids, attention_mask, emb_table):
    # attention_mask is deliberately unused, matching the torch module
    del attention_mask
    last_hidden_state = jnp.take(emb_table, input_ids, axis=0)
    return last_hidden_state

if __name__ == "__main__":
    import jax
    _d = setup_inputs()
    print(jax.jit(kernel)(*tuple(_d.values())))

</pallas_src>

<mosaic_0001>
#map = affine_map<(d0, d1) -> (0, 0)>
module attributes {stable_mosaic.version = 14 : i64} {
  func.func @run(%arg0: i32, %arg1: i32, %arg2: memref<25600x128xi32, #tpu.memory_space<hbm>>, %arg3: memref<32x128xf32, #tpu.memory_space<hbm>>, %arg4: memref<3276800x128xf32, #tpu.memory_space<hbm>>, %arg5: memref<5x128xi32, #tpu.memory_space<vmem>>, %arg6: memref<5x128x128xf32, #tpu.memory_space<vmem>>, %arg7: memref<32x128xf32, #tpu.memory_space<vmem_shared>>, %arg8: memref<!tpu.dma_semaphore, #tpu.memory_space<semaphore_mem>>, %arg9: memref<!tpu.dma_semaphore, #tpu.memory_space<semaphore_mem>>, %arg10: memref<!tpu.dma_semaphore, #tpu.memory_space<semaphore_mem>>, %arg11: memref<!tpu.dma_semaphore, #tpu.memory_space<semaphore_mem>>, %arg12: memref<!tpu.dma_semaphore, #tpu.memory_space<semaphore_mem>>, %arg13: memref<!tpu.dma_semaphore, #tpu.memory_space<semaphore_mem>>, %arg14: memref<!tpu.dma_semaphore, #tpu.memory_space<semaphore_mem>>, %arg15: memref<!tpu.dma_semaphore, #tpu.memory_space<semaphore_mem>>, %arg16: memref<!tpu.dma_semaphore, #tpu.memory_space<semaphore_mem>>, %arg17: memref<!tpu.dma_semaphore, #tpu.memory_space<semaphore_mem>>, %arg18: memref<!tpu.dma_semaphore, #tpu.memory_space<semaphore_mem>>, %arg19: memref<!tpu.dma_semaphore, #tpu.memory_space<semaphore_mem>>, %arg20: memref<!tpu.dma_semaphore, #tpu.memory_space<semaphore_mem>>, %arg21: memref<!tpu.dma_semaphore, #tpu.memory_space<semaphore_mem>>, %arg22: memref<!tpu.dma_semaphore, #tpu.memory_space<semaphore_mem>>) attributes {dimension_semantics = [#tpu.dimension_semantics<core_parallel>, #tpu.dimension_semantics<subcore_parallel>], iteration_bounds = array<i64: 2, 16>, scalar_prefetch = 0 : i64, scratch_operands = 18 : i64, tpu.core_type = #tpu.core_type<sc_vector_subcore>, window_params = [{transform_indices = #map}, {transform_indices = #map}, {transform_indices = #map}]} {
    %mul3A = arith.constant 2 : i32
    %mul3A_0 = arith.muli %arg1, %mul3A : i32
    %add3A = arith.addi %mul3A_0, %arg0 : i32
    %mul3A_1 = arith.constant 102400 : i32
    %mul3A_2 = arith.muli %add3A, %mul3A_1 : i32
    %jit3A = arith.constant 128 : i32
    %div3A = arith.divsi %mul3A_2, %jit3A : i32
    %sign3A = arith.constant 0 : i32
    %sign3A_3 = arith.cmpi sgt, %mul3A_2, %sign3A : i32
    %sign3A_4 = arith.extui %sign3A_3 : i1 to i32
    %sign3A_5 = arith.constant 0 : i32
    %sign3A_6 = arith.cmpi slt, %mul3A_2, %sign3A_5 : i32
    %sign3A_7 = arith.extui %sign3A_6 : i1 to i32
    %sign3A_8 = arith.subi %sign3A_4, %sign3A_7 : i32
    %sign3A_9 = arith.constant 0 : i32
    %sign3A_10 = arith.cmpi sgt, %jit3A, %sign3A_9 : i32
    %sign3A_11 = arith.extui %sign3A_10 : i1 to i32
    %sign3A_12 = arith.constant 0 : i32
    %sign3A_13 = arith.cmpi slt, %jit3A, %sign3A_12 : i32
    %sign3A_14 = arith.extui %sign3A_13 : i1 to i32
    %sign3A_15 = arith.subi %sign3A_11, %sign3A_14 : i32
    %ne3A = arith.cmpi ne, %sign3A_8, %sign3A_15 : i32
    %rem3A = arith.remsi %mul3A_2, %jit3A : i32
    %ne3A_16 = arith.constant 0 : i32
    %ne3A_17 = arith.cmpi ne, %rem3A, %ne3A_16 : i32
    %and3A = arith.andi %ne3A, %ne3A_17 : i1
    %sub3A = arith.constant 1 : i32
    %sub3A_18 = arith.subi %div3A, %sub3A : i32
    %select_n3A = arith.select %and3A, %sub3A_18, %div3A : i32
    %eq3A = arith.constant 0 : i32
    %eq3A_19 = arith.cmpi eq, %arg1, %eq3A : i32
    %convert_element_type3A = arith.extui %eq3A_19 : i1 to i32
    %cond3A = arith.constant 0 : i32
    %cond3A_20 = arith.cmpi ne, %convert_element_type3A, %cond3A : i32
    scf.if %cond3A_20 {
      "tpu.region"() ({
        %run_scoped3A = tpu.sem_alloc : memref<!tpu.dma_semaphore, #tpu.memory_space<semaphore_mem>>
        tpu.enqueue_dma source(%arg3 : memref<32x128xf32, #tpu.memory_space<hbm>>) target(%arg7 : memref<32x128xf32, #tpu.memory_space<vmem_shared>>) target_semaphore(%run_scoped3A : memref<!tpu.dma_semaphore, #tpu.memory_space<semaphore_mem>>)
        tpu.wait_dma2 semaphore(%run_scoped3A : memref<!tpu.dma_semaphore, #tpu.memory_space<semaphore_mem>>) src(%arg3 : memref<32x128xf32, #tpu.memory_space<hbm>>) dst(%arg7 : memref<32x128xf32, #tpu.memory_space<vmem_shared>>)
        tpu.yield
      }) : () -> ()
    } else {
    }
    %barrier3A = arith.constant 0 : index
    tpu.barrier barrier_id(%barrier3A)
    %add3A_21 = arith.constant 0 : i32
    %add3A_22 = arith.addi %select_n3A, %add3A_21 : i32
    %dma_start3A = arith.constant 0 : i32
    %dma_start3A_23 = arith.constant 0 : i32
    %dma_start3A_24 = tpu.memref_slice %arg5[%dma_start3A, %dma_start3A_23] : memref<5x128xi32, #tpu.memory_space<vmem>> -> memref<1x128xi32, #tpu.memory_space<vmem>>
    %dma_start3A_25 = tpu.memref_squeeze %dma_start3A_24 : memref<1x128xi32, #tpu.memory_space<vmem>> -> memref<128xi32, #tpu.memory_space<vmem>>
    %dma_start3A_26 = arith.constant 0 : i32
    %dma_start3A_27 = tpu.memref_slice %arg2[%add3A_22, %dma_start3A_26] : memref<25600x128xi32, #tpu.memory_space<hbm>> -> memref<1x128xi32, #tpu.memory_space<hbm>>
    %dma_start3A_28 = tpu.memref_squeeze %dma_start3A_27 : memref<1x128xi32, #tpu.memory_space<hbm>> -> memref<128xi32, #tpu.memory_space<hbm>>
    %dma_start3A_29 = arith.constant 0 : i32
    %dma_start3A_30 = tpu.memref_slice %arg5[%dma_start3A, %dma_start3A_29] : memref<5x128xi32, #tpu.memory_space<vmem>> -> memref<1x128xi32, #tpu.memory_space<vmem>>
    %dma_start3A_31 = tpu.memref_squeeze %dma_start3A_30 : memref<1x128xi32, #tpu.memory_space<vmem>> -> memref<128xi32, #tpu.memory_space<vmem>>
    %dma_start3A_32 = arith.constant 0 : i32
    %dma_start3A_33 = tpu.memref_slice %arg2[%add3A_22, %dma_start3A_32] : memref<25600x128xi32, #tpu.memory_space<hbm>> -> memref<1x128xi32, #tpu.memory_space<hbm>>
    %dma_start3A_34 = tpu.memref_squeeze %dma_start3A_33 : memref<1x128xi32, #tpu.memory_space<hbm>> -> memref<128xi32, #tpu.memory_space<hbm>>
    tpu.enqueue_dma source(%dma_start3A_34 : memref<128xi32, #tpu.memory_space<hbm>>) target(%dma_start3A_31 : memref<128xi32, #tpu.memory_space<vmem>>) target_semaphore(%arg18 : memref<!tpu.dma_semaphore, #tpu.memory_space<semaphore_mem>>)
    %add3A_35 = arith.constant 1 : i32
    %add3A_36 = arith.addi %select_n3A, %add3A_35 : i32
    %dma_start3A_37 = arith.constant 1 : i32
    %dma_start3A_38 = arith.constant 0 : i32
    %dma_start3A_39 = tpu.memref_slice %arg5[%dma_start3A_37, %dma_start3A_38] : memref<5x128xi32, #tpu.memory_space<vmem>> -> memref<1x128xi32, #tpu.memory_space<vmem>>
    %dma_start3A_40 = tpu.memref_squeeze %dma_start3A_39 : memref<1x128xi32, #tpu.memory_space<vmem>> -> memref<128xi32, #tpu.memory_space<vmem>>
    %dma_start3A_41 = arith.constant 0 : i32
    %dma_start3A_42 = tpu.memref_slice %arg2[%add3A_36, %dma_start3A_41] : memref<25600x128xi32, #tpu.memory_space<hbm>> -> memref<1x128xi32, #tpu.memory_space<hbm>>
    %dma_start3A_43 = tpu.memref_squeeze %dma_start3A_42 : memref<1x128xi32, #tpu.memory_space<hbm>> -> memref<128xi32, #tpu.memory_space<hbm>>
    %dma_start3A_44 = arith.constant 0 : i32
    %dma_start3A_45 = tpu.memref_slice %arg5[%dma_start3A_37, %dma_start3A_44] : memref<5x128xi32, #tpu.memory_space<vmem>> -> memref<1x128xi32, #tpu.memory_space<vmem>>
    %dma_start3A_46 = tpu.memref_squeeze %dma_start3A_45 : memref<1x128xi32, #tpu.memory_space<vmem>> -> memref<128xi32, #tpu.memory_space<vmem>>
    %dma_start3A_47 = arith.constant 0 : i32
    %dma_start3A_48 = tpu.memref_slice %arg2[%add3A_36, %dma_start3A_47] : memref<25600x128xi32, #tpu.memory_space<hbm>> -> memref<1x128xi32, #tpu.memory_space<hbm>>
    %dma_start3A_49 = tpu.memref_squeeze %dma_start3A_48 : memref<1x128xi32, #tpu.memory_space<hbm>> -> memref<128xi32, #tpu.memory_space<hbm>>
    tpu.enqueue_dma source(%dma_start3A_49 : memref<128xi32, #tpu.memory_space<hbm>>) target(%dma_start3A_46 : memref<128xi32, #tpu.memory_space<vmem>>) target_semaphore(%arg19 : memref<!tpu.dma_semaphore, #tpu.memory_space<semaphore_mem>>)
    %add3A_50 = arith.constant 2 : i32
    %add3A_51 = arith.addi %select_n3A, %add3A_50 : i32
    %dma_start3A_52 = arith.constant 2 : i32
    %dma_start3A_53 = arith.constant 0 : i32
    %dma_start3A_54 = tpu.memref_slice %arg5[%dma_start3A_52, %dma_start3A_53] : memref<5x128xi32, #tpu.memory_space<vmem>> -> memref<1x128xi32, #tpu.memory_space<vmem>>
    %dma_start3A_55 = tpu.memref_squeeze %dma_start3A_54 : memref<1x128xi32, #tpu.memory_space<vmem>> -> memref<128xi32, #tpu.memory_space<vmem>>
    %dma_start3A_56 = arith.constant 0 : i32
    %dma_start3A_57 = tpu.memref_slice %arg2[%add3A_51, %dma_start3A_56] : memref<25600x128xi32, #tpu.memory_space<hbm>> -> memref<1x128xi32, #tpu.memory_space<hbm>>
    %dma_start3A_58 = tpu.memref_squeeze %dma_start3A_57 : memref<1x128xi32, #tpu.memory_space<hbm>> -> memref<128xi32, #tpu.memory_space<hbm>>
    %dma_start3A_59 = arith.constant 0 : i32
    %dma_start3A_60 = tpu.memref_slice %arg5[%dma_start3A_52, %dma_start3A_59] : memref<5x128xi32, #tpu.memory_space<vmem>> -> memref<1x128xi32, #tpu.memory_space<vmem>>
    %dma_start3A_61 = tpu.memref_squeeze %dma_start3A_60 : memref<1x128xi32, #tpu.memory_space<vmem>> -> memref<128xi32, #tpu.memory_space<vmem>>
    %dma_start3A_62 = arith.constant 0 : i32
    %dma_start3A_63 = tpu.memref_slice %arg2[%add3A_51, %dma_start3A_62] : memref<25600x128xi32, #tpu.memory_space<hbm>> -> memref<1x128xi32, #tpu.memory_space<hbm>>
    %dma_start3A_64 = tpu.memref_squeeze %dma_start3A_63 : memref<1x128xi32, #tpu.memory_space<hbm>> -> memref<128xi32, #tpu.memory_space<hbm>>
    tpu.enqueue_dma source(%dma_start3A_64 : memref<128xi32, #tpu.memory_space<hbm>>) target(%dma_start3A_61 : memref<128xi32, #tpu.memory_space<vmem>>) target_semaphore(%arg20 : memref<!tpu.dma_semaphore, #tpu.memory_space<semaphore_mem>>)
    %add3A_65 = arith.constant 0 : i32
    %add3A_66 = arith.addi %select_n3A, %add3A_65 : i32
    %dma_wait3A = arith.constant 0 : i32
    %dma_wait3A_67 = arith.constant 0 : i32
    %dma_wait3A_68 = tpu.memref_slice %arg5[%dma_wait3A, %dma_wait3A_67] : memref<5x128xi32, #tpu.memory_space<vmem>> -> memref<1x128xi32, #tpu.memory_space<vmem>>
    %dma_wait3A_69 = tpu.memref_squeeze %dma_wait3A_68 : memref<1x128xi32, #tpu.memory_space<vmem>> -> memref<128xi32, #tpu.memory_space<vmem>>
    %dma_wait3A_70 = arith.constant 0 : i32
    %dma_wait3A_71 = tpu.memref_slice %arg2[%add3A_66, %dma_wait3A_70] : memref<25600x128xi32, #tpu.memory_space<hbm>> -> memref<1x128xi32, #tpu.memory_space<hbm>>
    %dma_wait3A_72 = tpu.memref_squeeze %dma_wait3A_71 : memref<1x128xi32, #tpu.memory_space<hbm>> -> memref<128xi32, #tpu.memory_space<hbm>>
    %dma_wait3A_73 = arith.constant 0 : i32
    %dma_wait3A_74 = tpu.memref_slice %arg5[%dma_wait3A, %dma_wait3A_73] : memref<5x128xi32, #tpu.memory_space<vmem>> -> memref<1x128xi32, #tpu.memory_space<vmem>>
    %dma_wait3A_75 = tpu.memref_squeeze %dma_wait3A_74 : memref<1x128xi32, #tpu.memory_space<vmem>> -> memref<128xi32, #tpu.memory_space<vmem>>
    %dma_wait3A_76 = arith.constant 0 : i32
    %dma_wait3A_77 = tpu.memref_slice %arg2[%add3A_66, %dma_wait3A_76] : memref<25600x128xi32, #tpu.memory_space<hbm>> -> memref<1x128xi32, #tpu.memory_space<hbm>>
    %dma_wait3A_78 = tpu.memref_squeeze %dma_wait3A_77 : memref<1x128xi32, #tpu.memory_space<hbm>> -> memref<128xi32, #tpu.memory_space<hbm>>
    tpu.wait_dma2 semaphore(%arg18 : memref<!tpu.dma_semaphore, #tpu.memory_space<semaphore_mem>>) src(%dma_wait3A_78 : memref<128xi32, #tpu.memory_space<hbm>>) dst(%dma_wait3A_75 : memref<128xi32, #tpu.memory_space<vmem>>)
    %dma_start3A_79 = arith.constant 0 : i32
    %dma_start3A_80 = arith.constant 0 : i32
    %dma_start3A_81 = arith.constant 0 : i32
    %dma_start3A_82 = arith.constant 0 : i32
    %dma_start3A_83 = tpu.memref_slice %arg6[%dma_start3A_80, %dma_start3A_81, %dma_start3A_82] : memref<5x128x128xf32, #tpu.memory_space<vmem>> -> memref<1x128x128xf32, #tpu.memory_space<vmem>>
    %dma_start3A_84 = tpu.memref_squeeze %dma_start3A_83 : memref<1x128x128xf32, #tpu.memory_space<vmem>> -> memref<128x128xf32, #tpu.memory_space<vmem>>
    %dma_start3A_85 = arith.constant 0 : i32
    %dma_start3A_86 = tpu.memref_slice %arg5[%dma_start3A_79, %dma_start3A_85] : memref<5x128xi32, #tpu.memory_space<vmem>> -> memref<1x128xi32, #tpu.memory_space<vmem>>
    %dma_start3A_87 = tpu.memref_squeeze %dma_start3A_86 : memref<1x128xi32, #tpu.memory_space<vmem>> -> memref<128xi32, #tpu.memory_space<vmem>>
    %dma_start3A_88 = arith.constant 0 : i32
    %dma_start3A_89 = arith.constant 0 : i32
    %dma_start3A_90 = tpu.memref_slice %arg7[%dma_start3A_88, %dma_start3A_89] : memref<32x128xf32, #tpu.memory_space<vmem_shared>> -> memref<32x128xf32, #tpu.memory_space<vmem_shared>>
    tpu.enqueue_indirect_dma source(%dma_start3A_90 : memref<32x128xf32, #tpu.memory_space<vmem_shared>>) target(%dma_start3A_84 : memref<128x128xf32, #tpu.memory_space<vmem>>) offsets(%dma_start3A_87 : memref<128xi32, #tpu.memory_space<vmem>>) semaphore(%arg8 : memref<!tpu.dma_semaphore, #tpu.memory_space<semaphore_mem>>)
    %add3A_91 = arith.constant 1 : i32
    %add3A_92 = arith.addi %select_n3A, %add3A_91 : i32
    %dma_wait3A_93 = arith.constant 1 : i32
    %dma_wait3A_94 = arith.constant 0 : i32
    %dma_wait3A_95 = tpu.memref_slice %arg5[%dma_wait3A_93, %dma_wait3A_94] : memref<5x128xi32, #tpu.memory_space<vmem>> -> memref<1x128xi32, #tpu.memory_space<vmem>>
    %dma_wait3A_96 = tpu.memref_squeeze %dma_wait3A_95 : memref<1x128xi32, #tpu.memory_space<vmem>> -> memref<128xi32, #tpu.memory_space<vmem>>
    %dma_wait3A_97 = arith.constant 0 : i32
    %dma_wait3A_98 = tpu.memref_slice %arg2[%add3A_92, %dma_wait3A_97] : memref<25600x128xi32, #tpu.memory_space<hbm>> -> memref<1x128xi32, #tpu.memory_space<hbm>>
    %dma_wait3A_99 = tpu.memref_squeeze %dma_wait3A_98 : memref<1x128xi32, #tpu.memory_space<hbm>> -> memref<128xi32, #tpu.memory_space<hbm>>
    %dma_wait3A_100 = arith.constant 0 : i32
    %dma_wait3A_101 = tpu.memref_slice %arg5[%dma_wait3A_93, %dma_wait3A_100] : memref<5x128xi32, #tpu.memory_space<vmem>> -> memref<1x128xi32, #tpu.memory_space<vmem>>
    %dma_wait3A_102 = tpu.memref_squeeze %dma_wait3A_101 : memref<1x128xi32, #tpu.memory_space<vmem>> -> memref<128xi32, #tpu.memory_space<vmem>>
    %dma_wait3A_103 = arith.constant 0 : i32
    %dma_wait3A_104 = tpu.memref_slice %arg2[%add3A_92, %dma_wait3A_103] : memref<25600x128xi32, #tpu.memory_space<hbm>> -> memref<1x128xi32, #tpu.memory_space<hbm>>
    %dma_wait3A_105 = tpu.memref_squeeze %dma_wait3A_104 : memref<1x128xi32, #tpu.memory_space<hbm>> -> memref<128xi32, #tpu.memory_space<hbm>>
    tpu.wait_dma2 semaphore(%arg19 : memref<!tpu.dma_semaphore, #tpu.memory_space<semaphore_mem>>) src(%dma_wait3A_105 : memref<128xi32, #tpu.memory_space<hbm>>) dst(%dma_wait3A_102 : memref<128xi32, #tpu.memory_space<vmem>>)
    %dma_start3A_106 = arith.constant 1 : i32
    %dma_start3A_107 = arith.constant 1 : i32
    %dma_start3A_108 = arith.constant 0 : i32
    %dma_start3A_109 = arith.constant 0 : i32
    %dma_start3A_110 = tpu.memref_slice %arg6[%dma_start3A_107, %dma_start3A_108, %dma_start3A_109] : memref<5x128x128xf32, #tpu.memory_space<vmem>> -> memref<1x128x128xf32, #tpu.memory_space<vmem>>
    %dma_start3A_111 = tpu.memref_squeeze %dma_start3A_110 : memref<1x128x128xf32, #tpu.memory_space<vmem>> -> memref<128x128xf32, #tpu.memory_space<vmem>>
    %dma_start3A_112 = arith.constant 0 : i32
    %dma_start3A_113 = tpu.memref_slice %arg5[%dma_start3A_106, %dma_start3A_112] : memref<5x128xi32, #tpu.memory_space<vmem>> -> memref<1x128xi32, #tpu.memory_space<vmem>>
    %dma_start3A_114 = tpu.memref_squeeze %dma_start3A_113 : memref<1x128xi32, #tpu.memory_space<vmem>> -> memref<128xi32, #tpu.memory_space<vmem>>
    %dma_start3A_115 = arith.constant 0 : i32
    %dma_start3A_116 = arith.constant 0 : i32
    %dma_start3A_117 = tpu.memref_slice %arg7[%dma_start3A_115, %dma_start3A_116] : memref<32x128xf32, #tpu.memory_space<vmem_shared>> -> memref<32x128xf32, #tpu.memory_space<vmem_shared>>
    tpu.enqueue_indirect_dma source(%dma_start3A_117 : memref<32x128xf32, #tpu.memory_space<vmem_shared>>) target(%dma_start3A_111 : memref<128x128xf32, #tpu.memory_space<vmem>>) offsets(%dma_start3A_114 : memref<128xi32, #tpu.memory_space<vmem>>) semaphore(%arg9 : memref<!tpu.dma_semaphore, #tpu.memory_space<semaphore_mem>>)
    %add3A_118 = arith.constant 2 : i32
    %add3A_119 = arith.addi %select_n3A, %add3A_118 : i32
    %dma_wait3A_120 = arith.constant 2 : i32
    %dma_wait3A_121 = arith.constant 0 : i32
    %dma_wait3A_122 = tpu.memref_slice %arg5[%dma_wait3A_120, %dma_wait3A_121] : memref<5x128xi32, #tpu.memory_space<vmem>> -> memref<1x128xi32, #tpu.memory_space<vmem>>
    %dma_wait3A_123 = tpu.memref_squeeze %dma_wait3A_122 : memref<1x128xi32, #tpu.memory_space<vmem>> -> memref<128xi32, #tpu.memory_space<vmem>>
    %dma_wait3A_124 = arith.constant 0 : i32
    %dma_wait3A_125 = tpu.memref_slice %arg2[%add3A_119, %dma_wait3A_124] : memref<25600x128xi32, #tpu.memory_space<hbm>> -> memref<1x128xi32, #tpu.memory_space<hbm>>
    %dma_wait3A_126 = tpu.memref_squeeze %dma_wait3A_125 : memref<1x128xi32, #tpu.memory_space<hbm>> -> memref<128xi32, #tpu.memory_space<hbm>>
    %dma_wait3A_127 = arith.constant 0 : i32
    %dma_wait3A_128 = tpu.memref_slice %arg5[%dma_wait3A_120, %dma_wait3A_127] : memref<5x128xi32, #tpu.memory_space<vmem>> -> memref<1x128xi32, #tpu.memory_space<vmem>>
    %dma_wait3A_129 = tpu.memref_squeeze %dma_wait3A_128 : memref<1x128xi32, #tpu.memory_space<vmem>> -> memref<128xi32, #tpu.memory_space<vmem>>
    %dma_wait3A_130 = arith.constant 0 : i32
    %dma_wait3A_131 = tpu.memref_slice %arg2[%add3A_119, %dma_wait3A_130] : memref<25600x128xi32, #tpu.memory_space<hbm>> -> memref<1x128xi32, #tpu.memory_space<hbm>>
    %dma_wait3A_132 = tpu.memref_squeeze %dma_wait3A_131 : memref<1x128xi32, #tpu.memory_space<hbm>> -> memref<128xi32, #tpu.memory_space<hbm>>
    tpu.wait_dma2 semaphore(%arg20 : memref<!tpu.dma_semaphore, #tpu.memory_space<semaphore_mem>>) src(%dma_wait3A_132 : memref<128xi32, #tpu.memory_space<hbm>>) dst(%dma_wait3A_129 : memref<128xi32, #tpu.memory_space<vmem>>)
    %dma_start3A_133 = arith.constant 2 : i32
    %dma_start3A_134 = arith.constant 2 : i32
    %dma_start3A_135 = arith.constant 0 : i32
    %dma_start3A_136 = arith.constant 0 : i32
    %dma_start3A_137 = tpu.memref_slice %arg6[%dma_start3A_134, %dma_start3A_135, %dma_start3A_136] : memref<5x128x128xf32, #tpu.memory_space<vmem>> -> memref<1x128x128xf32, #tpu.memory_space<vmem>>
    %dma_start3A_138 = tpu.memref_squeeze %dma_start3A_137 : memref<1x128x128xf32, #tpu.memory_space<vmem>> -> memref<128x128xf32, #tpu.memory_space<vmem>>
    %dma_start3A_139 = arith.constant 0 : i32
    %dma_start3A_140 = tpu.memref_slice %arg5[%dma_start3A_133, %dma_start3A_139] : memref<5x128xi32, #tpu.memory_space<vmem>> -> memref<1x128xi32, #tpu.memory_space<vmem>>
    %dma_start3A_141 = tpu.memref_squeeze %dma_start3A_140 : memref<1x128xi32, #tpu.memory_space<vmem>> -> memref<128xi32, #tpu.memory_space<vmem>>
    %dma_start3A_142 = arith.constant 0 : i32
    %dma_start3A_143 = arith.constant 0 : i32
    %dma_start3A_144 = tpu.memref_slice %arg7[%dma_start3A_142, %dma_start3A_143] : memref<32x128xf32, #tpu.memory_space<vmem_shared>> -> memref<32x128xf32, #tpu.memory_space<vmem_shared>>
    tpu.enqueue_indirect_dma source(%dma_start3A_144 : memref<32x128xf32, #tpu.memory_space<vmem_shared>>) target(%dma_start3A_138 : memref<128x128xf32, #tpu.memory_space<vmem>>) offsets(%dma_start3A_141 : memref<128xi32, #tpu.memory_space<vmem>>) semaphore(%arg10 : memref<!tpu.dma_semaphore, #tpu.memory_space<semaphore_mem>>)
    %add3A_145 = arith.constant 3 : i32
    %add3A_146 = arith.addi %select_n3A, %add3A_145 : i32
    %dma_start3A_147 = arith.constant 3 : i32
    %dma_start3A_148 = arith.constant 0 : i32
    %dma_start3A_149 = tpu.memref_slice %arg5[%dma_start3A_147, %dma_start3A_148] : memref<5x128xi32, #tpu.memory_space<vmem>> -> memref<1x128xi32, #tpu.memory_space<vmem>>
    %dma_start3A_150 = tpu.memref_squeeze %dma_start3A_149 : memref<1x128xi32, #tpu.memory_space<vmem>> -> memref<128xi32, #tpu.memory_space<vmem>>
    %dma_start3A_151 = arith.constant 0 : i32
    %dma_start3A_152 = tpu.memref_slice %arg2[%add3A_146, %dma_start3A_151] : memref<25600x128xi32, #tpu.memory_space<hbm>> -> memref<1x128xi32, #tpu.memory_space<hbm>>
    %dma_start3A_153 = tpu.memref_squeeze %dma_start3A_152 : memref<1x128xi32, #tpu.memory_space<hbm>> -> memref<128xi32, #tpu.memory_space<hbm>>
    %dma_start3A_154 = arith.constant 0 : i32
    %dma_start3A_155 = tpu.memref_slice %arg5[%dma_start3A_147, %dma_start3A_154] : memref<5x128xi32, #tpu.memory_space<vmem>> -> memref<1x128xi32, #tpu.memory_space<vmem>>
    %dma_start3A_156 = tpu.memref_squeeze %dma_start3A_155 : memref<1x128xi32, #tpu.memory_space<vmem>> -> memref<128xi32, #tpu.memory_space<vmem>>
    %dma_start3A_157 = arith.constant 0 : i32
    %dma_start3A_158 = tpu.memref_slice %arg2[%add3A_146, %dma_start3A_157] : memref<25600x128xi32, #tpu.memory_space<hbm>> -> memref<1x128xi32, #tpu.memory_space<hbm>>
    %dma_start3A_159 = tpu.memref_squeeze %dma_start3A_158 : memref<1x128xi32, #tpu.memory_space<hbm>> -> memref<128xi32, #tpu.memory_space<hbm>>
    tpu.enqueue_dma source(%dma_start3A_159 : memref<128xi32, #tpu.memory_space<hbm>>) target(%dma_start3A_156 : memref<128xi32, #tpu.memory_space<vmem>>) target_semaphore(%arg21 : memref<!tpu.dma_semaphore, #tpu.memory_space<semaphore_mem>>)
    %scan3A = arith.constant 0 : i32
    %scan3A_160 = arith.constant 0 : i32
    %scan3A_161 = arith.constant 160 : i32
    %scan3A_162 = arith.addi %scan3A_160, %scan3A_161 : i32
    %scan3A_163 = arith.constant 1 : i32
    scf.for %scan3A_199 = %scan3A_160 to %scan3A_162 step %scan3A_163  : i32 {
      %mul3A_200 = arith.constant 5 : i32
      %mul3A_201 = arith.muli %scan3A_199, %mul3A_200 : i32
      %add3A_202 = arith.constant 0 : i32
      %add3A_203 = arith.addi %mul3A_201, %add3A_202 : i32
      %dma_wait3A_204 = arith.constant 0 : i32
      %dma_wait3A_205 = arith.constant 0 : i32
      %dma_wait3A_206 = arith.constant 0 : i32
      %dma_wait3A_207 = arith.constant 0 : i32
      %dma_wait3A_208 = tpu.memref_slice %arg6[%dma_wait3A_205, %dma_wait3A_206, %dma_wait3A_207] : memref<5x128x128xf32, #tpu.memory_space<vmem>> -> memref<1x128x128xf32, #tpu.memory_space<vmem>>
      %dma_wait3A_209 = tpu.memref_squeeze %dma_wait3A_208 : memref<1x128x128xf32, #tpu.memory_space<vmem>> -> memref<128x128xf32, #tpu.memory_space<vmem>>
      %dma_wait3A_210 = arith.constant 0 : i32
      %dma_wait3A_211 = tpu.memref_slice %arg5[%dma_wait3A_204, %dma_wait3A_210] : memref<5x128xi32, #tpu.memory_space<vmem>> -> memref<1x128xi32, #tpu.memory_space<vmem>>
      %dma_wait3A_212 = tpu.memref_squeeze %dma_wait3A_211 : memref<1x128xi32, #tpu.memory_space<vmem>> -> memref<128xi32, #tpu.memory_space<vmem>>
      %dma_wait3A_213 = arith.constant 0 : i32
      %dma_wait3A_214 = arith.constant 0 : i32
      %dma_wait3A_215 = tpu.memref_slice %arg7[%dma_wait3A_213, %dma_wait3A_214] : memref<32x128xf32, #tpu.memory_space<vmem_shared>> -> memref<32x128xf32, #tpu.memory_space<vmem_shared>>
      tpu.wait_indirect_dma semaphore(%arg8 : memref<!tpu.dma_semaphore, #tpu.memory_space<semaphore_mem>>) src(%dma_wait3A_215 : memref<32x128xf32, #tpu.memory_space<vmem_shared>>) dst(%dma_wait3A_209 : memref<128x128xf32, #tpu.memory_space<vmem>>)
      %add3A_216 = arith.addi %select_n3A, %add3A_203 : i32
      %mul3A_217 = arith.constant 128 : i32
      %mul3A_218 = arith.muli %add3A_216, %mul3A_217 : i32
      %dma_start3A_219 = arith.constant 0 : i32
      %dma_start3A_220 = arith.constant 0 : i32
      %dma_start3A_221 = arith.constant 0 : i32
      %dma_start3A_222 = tpu.memref_slice %arg6[%dma_start3A_219, %dma_start3A_220, %dma_start3A_221] : memref<5x128x128xf32, #tpu.memory_space<vmem>> -> memref<1x128x128xf32, #tpu.memory_space<vmem>>
      %dma_start3A_223 = tpu.memref_squeeze %dma_start3A_222 : memref<1x128x128xf32, #tpu.memory_space<vmem>> -> memref<128x128xf32, #tpu.memory_space<vmem>>
      %dma_start3A_224 = arith.constant 0 : i32
      %dma_start3A_225 = tpu.memref_slice %arg4[%mul3A_218, %dma_start3A_224] : memref<3276800x128xf32, #tpu.memory_space<hbm>> -> memref<128x128xf32, #tpu.memory_space<hbm>>
      %dma_start3A_226 = arith.constant 0 : i32
      %dma_start3A_227 = tpu.memref_slice %arg4[%mul3A_218, %dma_start3A_226] : memref<3276800x128xf32, #tpu.memory_space<hbm>> -> memref<128x128xf32, #tpu.memory_space<hbm>>
      %dma_start3A_228 = arith.constant 0 : i32
      %dma_start3A_229 = arith.constant 0 : i32
      %dma_start3A_230 = tpu.memref_slice %arg6[%dma_start3A_219, %dma_start3A_228, %dma_start3A_229] : memref<5x128x128xf32, #tpu.memory_space<vmem>> -> memref<1x128x128xf32, #tpu.memory_space<vmem>>
      %dma_start3A_231 = tpu.memref_squeeze %dma_start3A_230 : memref<1x128x128xf32, #tpu.memory_space<vmem>> -> memref<128x128xf32, #tpu.memory_space<vmem>>
      tpu.enqueue_dma source(%dma_start3A_231 : memref<128x128xf32, #tpu.memory_space<vmem>>) target(%dma_start3A_227 : memref<128x128xf32, #tpu.memory_space<hbm>>) target_semaphore(%arg13 : memref<!tpu.dma_semaphore, #tpu.memory_space<semaphore_mem>>)
      %ge3A = arith.constant 2 : i32
      %ge3A_232 = arith.cmpi sge, %add3A_203, %ge3A : i32
      %convert_element_type3A_233 = arith.extui %ge3A_232 : i1 to i32
      %cond3A_234 = arith.constant 0 : i32
      %cond3A_235 = arith.cmpi ne, %convert_element_type3A_233, %cond3A_234 : i32
      scf.if %cond3A_235 {
        %sub3A_455 = arith.constant 2 : i32
        %sub3A_456 = arith.subi %add3A_203, %sub3A_455 : i32
        %add3A_457 = arith.addi %select_n3A, %sub3A_456 : i32
        %mul3A_458 = arith.constant 128 : i32
        %mul3A_459 = arith.muli %add3A_457, %mul3A_458 : i32
        %dma_wait3A_460 = arith.constant 3 : i32
        %dma_wait3A_461 = arith.constant 0 : i32
        %dma_wait3A_462 = arith.constant 0 : i32
        %dma_wait3A_463 = tpu.memref_slice %arg6[%dma_wait3A_460, %dma_wait3A_461, %dma_wait3A_462] : memref<5x128x128xf32, #tpu.memory_space<vmem>> -> memref<1x128x128xf32, #tpu.memory_space<vmem>>
        %dma_wait3A_464 = tpu.memref_squeeze %dma_wait3A_463 : memref<1x128x128xf32, #tpu.memory_space<vmem>> -> memref<128x128xf32, #tpu.memory_space<vmem>>
        %dma_wait3A_465 = arith.constant 0 : i32
        %dma_wait3A_466 = tpu.memref_slice %arg4[%mul3A_459, %dma_wait3A_465] : memref<3276800x128xf32, #tpu.memory_space<hbm>> -> memref<128x128xf32, #tpu.memory_space<hbm>>
        %dma_wait3A_467 = arith.constant 0 : i32
        %dma_wait3A_468 = tpu.memref_slice %arg4[%mul3A_459, %dma_wait3A_467] : memref<3276800x128xf32, #tpu.memory_space<hbm>> -> memref<128x128xf32, #tpu.memory_space<hbm>>
        %dma_wait3A_469 = arith.constant 0 : i32
        %dma_wait3A_470 = arith.constant 0 : i32
        %dma_wait3A_471 = tpu.memref_slice %arg6[%dma_wait3A_460, %dma_wait3A_469, %dma_wait3A_470] : memref<5x128x128xf32, #tpu.memory_space<vmem>> -> memref<1x128x128xf32, #tpu.memory_space<vmem>>
        %dma_wait3A_472 = tpu.memref_squeeze %dma_wait3A_471 : memref<1x128x128xf32, #tpu.memory_space<vmem>> -> memref<128x128xf32, #tpu.memory_space<vmem>>
        tpu.wait_dma2 semaphore(%arg16 : memref<!tpu.dma_semaphore, #tpu.memory_space<semaphore_mem>>) src(%dma_wait3A_472 : memref<128x128xf32, #tpu.memory_space<vmem>>) dst(%dma_wait3A_468 : memref<128x128xf32, #tpu.memory_space<hbm>>)
      } else {
      }
      %add3A_236 = arith.constant 3 : i32
      %add3A_237 = arith.addi %add3A_203, %add3A_236 : i32
      %lt3A = arith.constant 800 : i32
      %lt3A_238 = arith.cmpi slt, %add3A_237, %lt3A : i32
      %convert_element_type3A_239 = arith.extui %lt3A_238 : i1 to i32
      %cond3A_240 = arith.constant 0 : i32
      %cond3A_241 = arith.cmpi ne, %convert_element_type3A_239, %cond3A_240 : i32
      scf.if %cond3A_241 {
        %add3A_455 = arith.constant 3 : i32
        %add3A_456 = arith.addi %add3A_203, %add3A_455 : i32
        %add3A_457 = arith.addi %select_n3A, %add3A_456 : i32
        %dma_wait3A_458 = arith.constant 3 : i32
        %dma_wait3A_459 = arith.constant 0 : i32
        %dma_wait3A_460 = tpu.memref_slice %arg5[%dma_wait3A_458, %dma_wait3A_459] : memref<5x128xi32, #tpu.memory_space<vmem>> -> memref<1x128xi32, #tpu.memory_space<vmem>>
        %dma_wait3A_461 = tpu.memref_squeeze %dma_wait3A_460 : memref<1x128xi32, #tpu.memory_space<vmem>> -> memref<128xi32, #tpu.memory_space<vmem>>
        %dma_wait3A_462 = arith.constant 0 : i32
        %dma_wait3A_463 = tpu.memref_slice %arg2[%add3A_457, %dma_wait3A_462] : memref<25600x128xi32, #tpu.memory_space<hbm>> -> memref<1x128xi32, #tpu.memory_space<hbm>>
        %dma_wait3A_464 = tpu.memref_squeeze %dma_wait3A_463 : memref<1x128xi32, #tpu.memory_space<hbm>> -> memref<128xi32, #tpu.memory_space<hbm>>
        %dma_wait3A_465 = arith.constant 0 : i32
        %dma_wait3A_466 = tpu.memref_slice %arg5[%dma_wait3A_458, %dma_wait3A_465] : memref<5x128xi32, #tpu.memory_space<vmem>> -> memref<1x128xi32, #tpu.memory_space<vmem>>
        %dma_wait3A_467 = tpu.memref_squeeze %dma_wait3A_466 : memref<1x128xi32, #tpu.memory_space<vmem>> -> memref<128xi32, #tpu.memory_space<vmem>>
        %dma_wait3A_468 = arith.constant 0 : i32
        %dma_wait3A_469 = tpu.memref_slice %arg2[%add3A_457, %dma_wait3A_468] : memref<25600x128xi32, #tpu.memory_space<hbm>> -> memref<1x128xi32, #tpu.memory_space<hbm>>
        %dma_wait3A_470 = tpu.memref_squeeze %dma_wait3A_469 : memref<1x128xi32, #tpu.memory_space<hbm>> -> memref<128xi32, #tpu.memory_space<hbm>>
        tpu.wait_dma2 semaphore(%arg21 : memref<!tpu.dma_semaphore, #tpu.memory_space<semaphore_mem>>) src(%dma_wait3A_470 : memref<128xi32, #tpu.memory_space<hbm>>) dst(%dma_wait3A_467 : memref<128xi32, #tpu.memory_space<vmem>>)
        %dma_start3A_471 = arith.constant 3 : i32
        %dma_start3A_472 = arith.constant 3 : i32
        %dma_start3A_473 = arith.constant 0 : i32
        %dma_start3A_474 = arith.constant 0 : i32
        %dma_start3A_475 = tpu.memref_slice %arg6[%dma_start3A_472, %dma_start3A_473, %dma_start3A_474] : memref<5x128x128xf32, #tpu.memory_space<vmem>> -> memref<1x128x128xf32, #tpu.memory_space<vmem>>
        %dma_start3A_476 = tpu.memref_squeeze %dma_start3A_475 : memref<1x128x128xf32, #tpu.memory_space<vmem>> -> memref<128x128xf32, #tpu.memory_space<vmem>>
        %dma_start3A_477 = arith.constant 0 : i32
        %dma_start3A_478 = tpu.memref_slice %arg5[%dma_start3A_471, %dma_start3A_477] : memref<5x128xi32, #tpu.memory_space<vmem>> -> memref<1x128xi32, #tpu.memory_space<vmem>>
        %dma_start3A_479 = tpu.memref_squeeze %dma_start3A_478 : memref<1x128xi32, #tpu.memory_space<vmem>> -> memref<128xi32, #tpu.memory_space<vmem>>
        %dma_start3A_480 = arith.constant 0 : i32
        %dma_start3A_481 = arith.constant 0 : i32
        %dma_start3A_482 = tpu.memref_slice %arg7[%dma_start3A_480, %dma_start3A_481] : memref<32x128xf32, #tpu.memory_space<vmem_shared>> -> memref<32x128xf32, #tpu.memory_space<vmem_shared>>
        tpu.enqueue_indirect_dma source(%dma_start3A_482 : memref<32x128xf32, #tpu.memory_space<vmem_shared>>) target(%dma_start3A_476 : memref<128x128xf32, #tpu.memory_space<vmem>>) offsets(%dma_start3A_479 : memref<128xi32, #tpu.memory_space<vmem>>) semaphore(%arg11 : memref<!tpu.dma_semaphore, #tpu.memory_space<semaphore_mem>>)
      } else {
      }
      %add3A_242 = arith.constant 1 : i32
      %add3A_243 = arith.addi %add3A_203, %add3A_242 : i32
      %add3A_244 = arith.constant 3 : i32
      %add3A_245 = arith.addi %add3A_243, %add3A_244 : i32
      %lt3A_246 = arith.constant 800 : i32
      %lt3A_247 = arith.cmpi slt, %add3A_245, %lt3A_246 : i32
      %convert_element_type3A_248 = arith.extui %lt3A_247 : i1 to i32
      %cond3A_249 = arith.constant 0 : i32
      %cond3A_250 = arith.cmpi ne, %convert_element_type3A_248, %cond3A_249 : i32
      scf.if %cond3A_250 {
        %add3A_455 = arith.constant 1 : i32
        %add3A_456 = arith.addi %add3A_203, %add3A_455 : i32
        %add3A_457 = arith.constant 3 : i32
        %add3A_458 = arith.addi %add3A_456, %add3A_457 : i32
        %add3A_459 = arith.addi %select_n3A, %add3A_458 : i32
        %dma_start3A_460 = arith.constant 4 : i32
        %dma_start3A_461 = arith.constant 0 : i32
        %dma_start3A_462 = tpu.memref_slice %arg5[%dma_start3A_460, %dma_start3A_461] : memref<5x128xi32, #tpu.memory_space<vmem>> -> memref<1x128xi32, #tpu.memory_space<vmem>>
        %dma_start3A_463 = tpu.memref_squeeze %dma_start3A_462 : memref<1x128xi32, #tpu.memory_space<vmem>> -> memref<128xi32, #tpu.memory_space<vmem>>
        %dma_start3A_464 = arith.constant 0 : i32
        %dma_start3A_465 = tpu.memref_slice %arg2[%add3A_459, %dma_start3A_464] : memref<25600x128xi32, #tpu.memory_space<hbm>> -> memref<1x128xi32, #tpu.memory_space<hbm>>
        %dma_start3A_466 = tpu.memref_squeeze %dma_start3A_465 : memref<1x128xi32, #tpu.memory_space<hbm>> -> memref<128xi32, #tpu.memory_space<hbm>>
        %dma_start3A_467 = arith.constant 0 : i32
        %dma_start3A_468 = tpu.memref_slice %arg5[%dma_start3A_460, %dma_start3A_467] : memref<5x128xi32, #tpu.memory_space<vmem>> -> memref<1x128xi32, #tpu.memory_space<vmem>>
        %dma_start3A_469 = tpu.memref_squeeze %dma_start3A_468 : memref<1x128xi32, #tpu.memory_space<vmem>> -> memref<128xi32, #tpu.memory_space<vmem>>
        %dma_start3A_470 = arith.constant 0 : i32
        %dma_start3A_471 = tpu.memref_slice %arg2[%add3A_459, %dma_start3A_470] : memref<25600x128xi32, #tpu.memory_space<hbm>> -> memref<1x128xi32, #tpu.memory_space<hbm>>
        %dma_start3A_472 = tpu.memref_squeeze %dma_start3A_471 : memref<1x128xi32, #tpu.memory_space<hbm>> -> memref<128xi32, #tpu.memory_space<hbm>>
        tpu.enqueue_dma source(%dma_start3A_472 : memref<128xi32, #tpu.memory_space<hbm>>) target(%dma_start3A_469 : memref<128xi32, #tpu.memory_space<vmem>>) target_semaphore(%arg22 : memref<!tpu.dma_semaphore, #tpu.memory_space<semaphore_mem>>)
      } else {
      }
      %add3A_251 = arith.constant 1 : i32
      %add3A_252 = arith.addi %mul3A_201, %add3A_251 : i32
      %dma_wait3A_253 = arith.constant 1 : i32
      %dma_wait3A_254 = arith.constant 1 : i32
      %dma_wait3A_255 = arith.constant 0 : i32
      %dma_wait3A_256 = arith.constant 0 : i32
      %dma_wait3A_257 = tpu.memref_slice %arg6[%dma_wait3A_254, %dma_wait3A_255, %dma_wait3A_256] : memref<5x128x128xf32, #tpu.memory_space<vmem>> -> memref<1x128x128xf32, #tpu.memory_space<vmem>>
      %dma_wait3A_258 = tpu.memref_squeeze %dma_wait3A_257 : memref<1x128x128xf32, #tpu.memory_space<vmem>> -> memref<128x128xf32, #tpu.memory_space<vmem>>
      %dma_wait3A_259 = arith.constant 0 : i32
      %dma_wait3A_260 = tpu.memref_slice %arg5[%dma_wait3A_253, %dma_wait3A_259] : memref<5x128xi32, #tpu.memory_space<vmem>> -> memref<1x128xi32, #tpu.memory_space<vmem>>
      %dma_wait3A_261 = tpu.memref_squeeze %dma_wait3A_260 : memref<1x128xi32, #tpu.memory_space<vmem>> -> memref<128xi32, #tpu.memory_space<vmem>>
      %dma_wait3A_262 = arith.constant 0 : i32
      %dma_wait3A_263 = arith.constant 0 : i32
      %dma_wait3A_264 = tpu.memref_slice %arg7[%dma_wait3A_262, %dma_wait3A_263] : memref<32x128xf32, #tpu.memory_space<vmem_shared>> -> memref<32x128xf32, #tpu.memory_space<vmem_shared>>
      tpu.wait_indirect_dma semaphore(%arg9 : memref<!tpu.dma_semaphore, #tpu.memory_space<semaphore_mem>>) src(%dma_wait3A_264 : memref<32x128xf32, #tpu.memory_space<vmem_shared>>) dst(%dma_wait3A_258 : memref<128x128xf32, #tpu.memory_space<vmem>>)
      %add3A_265 = arith.addi %select_n3A, %add3A_252 : i32
      %mul3A_266 = arith.constant 128 : i32
      %mul3A_267 = arith.muli %add3A_265, %mul3A_266 : i32
      %dma_start3A_268 = arith.constant 1 : i32
      %dma_start3A_269 = arith.constant 0 : i32
      %dma_start3A_270 = arith.constant 0 : i32
      %dma_start3A_271 = tpu.memref_slice %arg6[%dma_start3A_268, %dma_start3A_269, %dma_start3A_270] : memref<5x128x128xf32, #tpu.memory_space<vmem>> -> memref<1x128x128xf32, #tpu.memory_space<vmem>>
      %dma_start3A_272 = tpu.memref_squeeze %dma_start3A_271 : memref<1x128x128xf32, #tpu.memory_space<vmem>> -> memref<128x128xf32, #tpu.memory_space<vmem>>
      %dma_start3A_273 = arith.constant 0 : i32
      %dma_start3A_274 = tpu.memref_slice %arg4[%mul3A_267, %dma_start3A_273] : memref<3276800x128xf32, #tpu.memory_space<hbm>> -> memref<128x128xf32, #tpu.memory_space<hbm>>
      %dma_start3A_275 = arith.constant 0 : i32
      %dma_start3A_276 = tpu.memref_slice %arg4[%mul3A_267, %dma_start3A_275] : memref<3276800x128xf32, #tpu.memory_space<hbm>> -> memref<128x128xf32, #tpu.memory_space<hbm>>
      %dma_start3A_277 = arith.constant 0 : i32
      %dma_start3A_278 = arith.constant 0 : i32
      %dma_start3A_279 = tpu.memref_slice %arg6[%dma_start3A_268, %dma_start3A_277, %dma_start3A_278] : memref<5x128x128xf32, #tpu.memory_space<vmem>> -> memref<1x128x128xf32, #tpu.memory_space<vmem>>
      %dma_start3A_280 = tpu.memref_squeeze %dma_start3A_279 : memref<1x128x128xf32, #tpu.memory_space<vmem>> -> memref<128x128xf32, #tpu.memory_space<vmem>>
      tpu.enqueue_dma source(%dma_start3A_280 : memref<128x128xf32, #tpu.memory_space<vmem>>) target(%dma_start3A_276 : memref<128x128xf32, #tpu.memory_space<hbm>>) target_semaphore(%arg14 : memref<!tpu.dma_semaphore, #tpu.memory_space<semaphore_mem>>)
      %ge3A_281 = arith.constant 2 : i32
      %ge3A_282 = arith.cmpi sge, %add3A_252, %ge3A_281 : i32
      %convert_element_type3A_283 = arith.extui %ge3A_282 : i1 to i32
      %cond3A_284 = arith.constant 0 : i32
      %cond3A_285 = arith.cmpi ne, %convert_element_type3A_283, %cond3A_284 : i32
      scf.if %cond3A_285 {
        %sub3A_455 = arith.constant 2 : i32
        %sub3A_456 = arith.subi %add3A_252, %sub3A_455 : i32
        %add3A_457 = arith.addi %select_n3A, %sub3A_456 : i32
        %mul3A_458 = arith.constant 128 : i32
        %mul3A_459 = arith.muli %add3A_457, %mul3A_458 : i32
        %dma_wait3A_460 = arith.constant 4 : i32
        %dma_wait3A_461 = arith.constant 0 : i32
        %dma_wait3A_462 = arith.constant 0 : i32
        %dma_wait3A_463 = tpu.memref_slice %arg6[%dma_wait3A_460, %dma_wait3A_461, %dma_wait3A_462] : memref<5x128x128xf32, #tpu.memory_space<vmem>> -> memref<1x128x128xf32, #tpu.memory_space<vmem>>
        %dma_wait3A_464 = tpu.memref_squeeze %dma_wait3A_463 : memref<1x128x128xf32, #tpu.memory_space<vmem>> -> memref<128x128xf32, #tpu.memory_space<vmem>>
        %dma_wait3A_465 = arith.constant 0 : i32
        %dma_wait3A_466 = tpu.memref_slice %arg4[%mul3A_459, %dma_wait3A_465] : memref<3276800x128xf32, #tpu.memory_space<hbm>> -> memref<128x128xf32, #tpu.memory_space<hbm>>
        %dma_wait3A_467 = arith.constant 0 : i32
        %dma_wait3A_468 = tpu.memref_slice %arg4[%mul3A_459, %dma_wait3A_467] : memref<3276800x128xf32, #tpu.memory_space<hbm>> -> memref<128x128xf32, #tpu.memory_space<hbm>>
        %dma_wait3A_469 = arith.constant 0 : i32
        %dma_wait3A_470 = arith.constant 0 : i32
        %dma_wait3A_471 = tpu.memref_slice %arg6[%dma_wait3A_460, %dma_wait3A_469, %dma_wait3A_470] : memref<5x128x128xf32, #tpu.memory_space<vmem>> -> memref<1x128x128xf32, #tpu.memory_space<vmem>>
        %dma_wait3A_472 = tpu.memref_squeeze %dma_wait3A_471 : memref<1x128x128xf32, #tpu.memory_space<vmem>> -> memref<128x128xf32, #tpu.memory_space<vmem>>
        tpu.wait_dma2 semaphore(%arg17 : memref<!tpu.dma_semaphore, #tpu.memory_space<semaphore_mem>>) src(%dma_wait3A_472 : memref<128x128xf32, #tpu.memory_space<vmem>>) dst(%dma_wait3A_468 : memref<128x128xf32, #tpu.memory_space<hbm>>)
      } else {
      }
      %add3A_286 = arith.constant 3 : i32
      %add3A_287 = arith.addi %add3A_252, %add3A_286 : i32
      %lt3A_288 = arith.constant 800 : i32
      %lt3A_289 = arith.cmpi slt, %add3A_287, %lt3A_288 : i32
      %convert_element_type3A_290 = arith.extui %lt3A_289 : i1 to i32
      %cond3A_291 = arith.constant 0 : i32
      %cond3A_292 = arith.cmpi ne, %convert_element_type3A_290, %cond3A_291 : i32
      scf.if %cond3A_292 {
        %add3A_455 = arith.constant 3 : i32
        %add3A_456 = arith.addi %add3A_252, %add3A_455 : i32
        %add3A_457 = arith.addi %select_n3A, %add3A_456 : i32
        %dma_wait3A_458 = arith.constant 4 : i32
        %dma_wait3A_459 = arith.constant 0 : i32
        %dma_wait3A_460 = tpu.memref_slice %arg5[%dma_wait3A_458, %dma_wait3A_459] : memref<5x128xi32, #tpu.memory_space<vmem>> -> memref<1x128xi32, #tpu.memory_space<vmem>>
        %dma_wait3A_461 = tpu.memref_squeeze %dma_wait3A_460 : memref<1x128xi32, #tpu.memory_space<vmem>> -> memref<128xi32, #tpu.memory_space<vmem>>
        %dma_wait3A_462 = arith.constant 0 : i32
        %dma_wait3A_463 = tpu.memref_slice %arg2[%add3A_457, %dma_wait3A_462] : memref<25600x128xi32, #tpu.memory_space<hbm>> -> memref<1x128xi32, #tpu.memory_space<hbm>>
        %dma_wait3A_464 = tpu.memref_squeeze %dma_wait3A_463 : memref<1x128xi32, #tpu.memory_space<hbm>> -> memref<128xi32, #tpu.memory_space<hbm>>
        %dma_wait3A_465 = arith.constant 0 : i32
        %dma_wait3A_466 = tpu.memref_slice %arg5[%dma_wait3A_458, %dma_wait3A_465] : memref<5x128xi32, #tpu.memory_space<vmem>> -> memref<1x128xi32, #tpu.memory_space<vmem>>
        %dma_wait3A_467 = tpu.memref_squeeze %dma_wait3A_466 : memref<1x128xi32, #tpu.memory_space<vmem>> -> memref<128xi32, #tpu.memory_space<vmem>>
        %dma_wait3A_468 = arith.constant 0 : i32
        %dma_wait3A_469 = tpu.memref_slice %arg2[%add3A_457, %dma_wait3A_468] : memref<25600x128xi32, #tpu.memory_space<hbm>> -> memref<1x128xi32, #tpu.memory_space<hbm>>
        %dma_wait3A_470 = tpu.memref_squeeze %dma_wait3A_469 : memref<1x128xi32, #tpu.memory_space<hbm>> -> memref<128xi32, #tpu.memory_space<hbm>>
        tpu.wait_dma2 semaphore(%arg22 : memref<!tpu.dma_semaphore, #tpu.memory_space<semaphore_mem>>) src(%dma_wait3A_470 : memref<128xi32, #tpu.memory_space<hbm>>) dst(%dma_wait3A_467 : memref<128xi32, #tpu.memory_space<vmem>>)
        %dma_start3A_471 = arith.constant 4 : i32
        %dma_start3A_472 = arith.constant 4 : i32
        %dma_start3A_473 = arith.constant 0 : i32
        %dma_start3A_474 = arith.constant 0 : i32
        %dma_start3A_475 = tpu.memref_slice %arg6[%dma_start3A_472, %dma_start3A_473, %dma_start3A_474] : memref<5x128x128xf32, #tpu.memory_space<vmem>> -> memref<1x128x128xf32, #tpu.memory_space<vmem>>
        %dma_start3A_476 = tpu.memref_squeeze %dma_start3A_475 : memref<1x128x128xf32, #tpu.memory_space<vmem>> -> memref<128x128xf32, #tpu.memory_space<vmem>>
        %dma_start3A_477 = arith.constant 0 : i32
        %dma_start3A_478 = tpu.memref_slice %arg5[%dma_start3A_471, %dma_start3A_477] : memref<5x128xi32, #tpu.memory_space<vmem>> -> memref<1x128xi32, #tpu.memory_space<vmem>>
        %dma_start3A_479 = tpu.memref_squeeze %dma_start3A_478 : memref<1x128xi32, #tpu.memory_space<vmem>> -> memref<128xi32, #tpu.memory_space<vmem>>
        %dma_start3A_480 = arith.constant 0 : i32
        %dma_start3A_481 = arith.constant 0 : i32
        %dma_start3A_482 = tpu.memref_slice %arg7[%dma_start3A_480, %dma_start3A_481] : memref<32x128xf32, #tpu.memory_space<vmem_shared>> -> memref<32x128xf32, #tpu.memory_space<vmem_shared>>
        tpu.enqueue_indirect_dma source(%dma_start3A_482 : memref<32x128xf32, #tpu.memory_space<vmem_shared>>) target(%dma_start3A_476 : memref<128x128xf32, #tpu.memory_space<vmem>>) offsets(%dma_start3A_479 : memref<128xi32, #tpu.memory_space<vmem>>) semaphore(%arg12 : memref<!tpu.dma_semaphore, #tpu.memory_space<semaphore_mem>>)
      } else {
      }
      %add3A_293 = arith.constant 1 : i32
      %add3A_294 = arith.addi %add3A_252, %add3A_293 : i32
      %add3A_295 = arith.constant 3 : i32
      %add3A_296 = arith.addi %add3A_294, %add3A_295 : i32
      %lt3A_297 = arith.constant 800 : i32
      %lt3A_298 = arith.cmpi slt, %add3A_296, %lt3A_297 : i32
      %convert_element_type3A_299 = arith.extui %lt3A_298 : i1 to i32
      %cond3A_300 = arith.constant 0 : i32
      %cond3A_301 = arith.cmpi ne, %convert_element_type3A_299, %cond3A_300 : i32
      scf.if %cond3A_301 {
        %add3A_455 = arith.constant 1 : i32
        %add3A_456 = arith.addi %add3A_252, %add3A_455 : i32
        %add3A_457 = arith.constant 3 : i32
        %add3A_458 = arith.addi %add3A_456, %add3A_457 : i32
        %add3A_459 = arith.addi %select_n3A, %add3A_458 : i32
        %dma_start3A_460 = arith.constant 0 : i32
        %dma_start3A_461 = arith.constant 0 : i32
        %dma_start3A_462 = tpu.memref_slice %arg5[%dma_start3A_460, %dma_start3A_461] : memref<5x128xi32, #tpu.memory_space<vmem>> -> memref<1x128xi32, #tpu.memory_space<vmem>>
        %dma_start3A_463 = tpu.memref_squeeze %dma_start3A_462 : memref<1x128xi32, #tpu.memory_space<vmem>> -> memref<128xi32, #tpu.memory_space<vmem>>
        %dma_start3A_464 = arith.constant 0 : i32
        %dma_start3A_465 = tpu.memref_slice %arg2[%add3A_459, %dma_start3A_464] : memref<25600x128xi32, #tpu.memory_space<hbm>> -> memref<1x128xi32, #tpu.memory_space<hbm>>
        %dma_start3A_466 = tpu.memref_squeeze %dma_start3A_465 : memref<1x128xi32, #tpu.memory_space<hbm>> -> memref<128xi32, #tpu.memory_space<hbm>>
        %dma_start3A_467 = arith.constant 0 : i32
        %dma_start3A_468 = tpu.memref_slice %arg5[%dma_start3A_460, %dma_start3A_467] : memref<5x128xi32, #tpu.memory_space<vmem>> -> memref<1x128xi32, #tpu.memory_space<vmem>>
        %dma_start3A_469 = tpu.memref_squeeze %dma_start3A_468 : memref<1x128xi32, #tpu.memory_space<vmem>> -> memref<128xi32, #tpu.memory_space<vmem>>
        %dma_start3A_470 = arith.constant 0 : i32
        %dma_start3A_471 = tpu.memref_slice %arg2[%add3A_459, %dma_start3A_470] : memref<25600x128xi32, #tpu.memory_space<hbm>> -> memref<1x128xi32, #tpu.memory_space<hbm>>
        %dma_start3A_472 = tpu.memref_squeeze %dma_start3A_471 : memref<1x128xi32, #tpu.memory_space<hbm>> -> memref<128xi32, #tpu.memory_space<hbm>>
        tpu.enqueue_dma source(%dma_start3A_472 : memref<128xi32, #tpu.memory_space<hbm>>) target(%dma_start3A_469 : memref<128xi32, #tpu.memory_space<vmem>>) target_semaphore(%arg18 : memref<!tpu.dma_semaphore, #tpu.memory_space<semaphore_mem>>)
      } else {
      }
      %add3A_302 = arith.constant 2 : i32
      %add3A_303 = arith.addi %mul3A_201, %add3A_302 : i32
      %dma_wait3A_304 = arith.constant 2 : i32
      %dma_wait3A_305 = arith.constant 2 : i32
      %dma_wait3A_306 = arith.constant 0 : i32
      %dma_wait3A_307 = arith.constant 0 : i32
      %dma_wait3A_308 = tpu.memref_slice %arg6[%dma_wait3A_305, %dma_wait3A_306, %dma_wait3A_307] : memref<5x128x128xf32, #tpu.memory_space<vmem>> -> memref<1x128x128xf32, #tpu.memory_space<vmem>>
      %dma_wait3A_309 = tpu.memref_squeeze %dma_wait3A_308 : memref<1x128x128xf32, #tpu.memory_space<vmem>> -> memref<128x128xf32, #tpu.memory_space<vmem>>
      %dma_wait3A_310 = arith.constant 0 : i32
      %dma_wait3A_311 = tpu.memref_slice %arg5[%dma_wait3A_304, %dma_wait3A_310] : memref<5x128xi32, #tpu.memory_space<vmem>> -> memref<1x128xi32, #tpu.memory_space<vmem>>
      %dma_wait3A_312 = tpu.memref_squeeze %dma_wait3A_311 : memref<1x128xi32, #tpu.memory_space<vmem>> -> memref<128xi32, #tpu.memory_space<vmem>>
      %dma_wait3A_313 = arith.constant 0 : i32
      %dma_wait3A_314 = arith.constant 0 : i32
      %dma_wait3A_315 = tpu.memref_slice %arg7[%dma_wait3A_313, %dma_wait3A_314] : memref<32x128xf32, #tpu.memory_space<vmem_shared>> -> memref<32x128xf32, #tpu.memory_space<vmem_shared>>
      tpu.wait_indirect_dma semaphore(%arg10 : memref<!tpu.dma_semaphore, #tpu.memory_space<semaphore_mem>>) src(%dma_wait3A_315 : memref<32x128xf32, #tpu.memory_space<vmem_shared>>) dst(%dma_wait3A_309 : memref<128x128xf32, #tpu.memory_space<vmem>>)
      %add3A_316 = arith.addi %select_n3A, %add3A_303 : i32
      %mul3A_317 = arith.constant 128 : i32
      %mul3A_318 = arith.muli %add3A_316, %mul3A_317 : i32
      %dma_start3A_319 = arith.constant 2 : i32
      %dma_start3A_320 = arith.constant 0 : i32
      %dma_start3A_321 = arith.constant 0 : i32
      %dma_start3A_322 = tpu.memref_slice %arg6[%dma_start3A_319, %dma_start3A_320, %dma_start3A_321] : memref<5x128x128xf32, #tpu.memory_space<vmem>> -> memref<1x128x128xf32, #tpu.memory_space<vmem>>
      %dma_start3A_323 = tpu.memref_squeeze %dma_start3A_322 : memref<1x128x128xf32, #tpu.memory_space<vmem>> -> memref<128x128xf32, #tpu.memory_space<vmem>>
      %dma_start3A_324 = arith.constant 0 : i32
      %dma_start3A_325 = tpu.memref_slice %arg4[%mul3A_318, %dma_start3A_324] : memref<3276800x128xf32, #tpu.memory_space<hbm>> -> memref<128x128xf32, #tpu.memory_space<hbm>>
      %dma_start3A_326 = arith.constant 0 : i32
      %dma_start3A_327 = tpu.memref_slice %arg4[%mul3A_318, %dma_start3A_326] : memref<3276800x128xf32, #tpu.memory_space<hbm>> -> memref<128x128xf32, #tpu.memory_space<hbm>>
      %dma_start3A_328 = arith.constant 0 : i32
      %dma_start3A_329 = arith.constant 0 : i32
      %dma_start3A_330 = tpu.memref_slice %arg6[%dma_start3A_319, %dma_start3A_328, %dma_start3A_329] : memref<5x128x128xf32, #tpu.memory_space<vmem>> -> memref<1x128x128xf32, #tpu.memory_space<vmem>>
      %dma_start3A_331 = tpu.memref_squeeze %dma_start3A_330 : memref<1x128x128xf32, #tpu.memory_space<vmem>> -> memref<128x128xf32, #tpu.memory_space<vmem>>
      tpu.enqueue_dma source(%dma_start3A_331 : memref<128x128xf32, #tpu.memory_space<vmem>>) target(%dma_start3A_327 : memref<128x128xf32, #tpu.memory_space<hbm>>) target_semaphore(%arg15 : memref<!tpu.dma_semaphore, #tpu.memory_space<semaphore_mem>>)
      %ge3A_332 = arith.constant 2 : i32
      %ge3A_333 = arith.cmpi sge, %add3A_303, %ge3A_332 : i32
      %convert_element_type3A_334 = arith.extui %ge3A_333 : i1 to i32
      %cond3A_335 = arith.constant 0 : i32
      %cond3A_336 = arith.cmpi ne, %convert_element_type3A_334, %cond3A_335 : i32
      scf.if %cond3A_336 {
        %sub3A_455 = arith.constant 2 : i32
        %sub3A_456 = arith.subi %add3A_303, %sub3A_455 : i32
        %add3A_457 = arith.addi %select_n3A, %sub3A_456 : i32
        %mul3A_458 = arith.constant 128 : i32
        %mul3A_459 = arith.muli %add3A_457, %mul3A_458 : i32
        %dma_wait3A_460 = arith.constant 0 : i32
        %dma_wait3A_461 = arith.constant 0 : i32
        %dma_wait3A_462 = arith.constant 0 : i32
        %dma_wait3A_463 = tpu.memref_slice %arg6[%dma_wait3A_460, %dma_wait3A_461, %dma_wait3A_462] : memref<5x128x128xf32, #tpu.memory_space<vmem>> -> memref<1x128x128xf32, #tpu.memory_space<vmem>>
        %dma_wait3A_464 = tpu.memref_squeeze %dma_wait3A_463 : memref<1x128x128xf32, #tpu.memory_space<vmem>> -> memref<128x128xf32, #tpu.memory_space<vmem>>
        %dma_wait3A_465 = arith.constant 0 : i32
        %dma_wait3A_466 = tpu.memref_slice %arg4[%mul3A_459, %dma_wait3A_465] : memref<3276800x128xf32, #tpu.memory_space<hbm>> -> memref<128x128xf32, #tpu.memory_space<hbm>>
        %dma_wait3A_467 = arith.constant 0 : i32
        %dma_wait3A_468 = tpu.memref_slice %arg4[%mul3A_459, %dma_wait3A_467] : memref<3276800x128xf32, #tpu.memory_space<hbm>> -> memref<128x128xf32, #tpu.memory_space<hbm>>
        %dma_wait3A_469 = arith.constant 0 : i32
        %dma_wait3A_470 = arith.constant 0 : i32
        %dma_wait3A_471 = tpu.memref_slice %arg6[%dma_wait3A_460, %dma_wait3A_469, %dma_wait3A_470] : memref<5x128x128xf32, #tpu.memory_space<vmem>> -> memref<1x128x128xf32, #tpu.memory_space<vmem>>
        %dma_wait3A_472 = tpu.memref_squeeze %dma_wait3A_471 : memref<1x128x128xf32, #tpu.memory_space<vmem>> -> memref<128x128xf32, #tpu.memory_space<vmem>>
        tpu.wait_dma2 semaphore(%arg13 : memref<!tpu.dma_semaphore, #tpu.memory_space<semaphore_mem>>) src(%dma_wait3A_472 : memref<128x128xf32, #tpu.memory_space<vmem>>) dst(%dma_wait3A_468 : memref<128x128xf32, #tpu.memory_space<hbm>>)
      } else {
      }
      %add3A_337 = arith.constant 3 : i32
      %add3A_338 = arith.addi %add3A_303, %add3A_337 : i32
      %lt3A_339 = arith.constant 800 : i32
      %lt3A_340 = arith.cmpi slt, %add3A_338, %lt3A_339 : i32
      %convert_element_type3A_341 = arith.extui %lt3A_340 : i1 to i32
      %cond3A_342 = arith.constant 0 : i32
      %cond3A_343 = arith.cmpi ne, %convert_element_type3A_341, %cond3A_342 : i32
      scf.if %cond3A_343 {
        %add3A_455 = arith.constant 3 : i32
        %add3A_456 = arith.addi %add3A_303, %add3A_455 : i32
        %add3A_457 = arith.addi %select_n3A, %add3A_456 : i32
        %dma_wait3A_458 = arith.constant 0 : i32
        %dma_wait3A_459 = arith.constant 0 : i32
        %dma_wait3A_460 = tpu.memref_slice %arg5[%dma_wait3A_458, %dma_wait3A_459] : memref<5x128xi32, #tpu.memory_space<vmem>> -> memref<1x128xi32, #tpu.memory_space<vmem>>
        %dma_wait3A_461 = tpu.memref_squeeze %dma_wait3A_460 : memref<1x128xi32, #tpu.memory_space<vmem>> -> memref<128xi32, #tpu.memory_space<vmem>>
        %dma_wait3A_462 = arith.constant 0 : i32
        %dma_wait3A_463 = tpu.memref_slice %arg2[%add3A_457, %dma_wait3A_462] : memref<25600x128xi32, #tpu.memory_space<hbm>> -> memref<1x128xi32, #tpu.memory_space<hbm>>
        %dma_wait3A_464 = tpu.memref_squeeze %dma_wait3A_463 : memref<1x128xi32, #tpu.memory_space<hbm>> -> memref<128xi32, #tpu.memory_space<hbm>>
        %dma_wait3A_465 = arith.constant 0 : i32
        %dma_wait3A_466 = tpu.memref_slice %arg5[%dma_wait3A_458, %dma_wait3A_465] : memref<5x128xi32, #tpu.memory_space<vmem>> -> memref<1x128xi32, #tpu.memory_space<vmem>>
        %dma_wait3A_467 = tpu.memref_squeeze %dma_wait3A_466 : memref<1x128xi32, #tpu.memory_space<vmem>> -> memref<128xi32, #tpu.memory_space<vmem>>
        %dma_wait3A_468 = arith.constant 0 : i32
        %dma_wait3A_469 = tpu.memref_slice %arg2[%add3A_457, %dma_wait3A_468] : memref<25600x128xi32, #tpu.memory_space<hbm>> -> memref<1x128xi32, #tpu.memory_space<hbm>>
        %dma_wait3A_470 = tpu.memref_squeeze %dma_wait3A_469 : memref<1x128xi32, #tpu.memory_space<hbm>> -> memref<128xi32, #tpu.memory_space<hbm>>
        tpu.wait_dma2 semaphore(%arg18 : memref<!tpu.dma_semaphore, #tpu.memory_space<semaphore_mem>>) src(%dma_wait3A_470 : memref<128xi32, #tpu.memory_space<hbm>>) dst(%dma_wait3A_467 : memref<128xi32, #tpu.memory_space<vmem>>)
        %dma_start3A_471 = arith.constant 0 : i32
        %dma_start3A_472 = arith.constant 0 : i32
        %dma_start3A_473 = arith.constant 0 : i32
        %dma_start3A_474 = arith.constant 0 : i32
        %dma_start3A_475 = tpu.memref_slice %arg6[%dma_start3A_472, %dma_start3A_473, %dma_start3A_474] : memref<5x128x128xf32, #tpu.memory_space<vmem>> -> memref<1x128x128xf32, #tpu.memory_space<vmem>>
        %dma_start3A_476 = tpu.memref_squeeze %dma_start3A_475 : memref<1x128x128xf32, #tpu.memory_space<vmem>> -> memref<128x128xf32, #tpu.memory_space<vmem>>
        %dma_start3A_477 = arith.constant 0 : i32
        %dma_start3A_478 = tpu.memref_slice %arg5[%dma_start3A_471, %dma_start3A_477] : memref<5x128xi32, #tpu.memory_space<vmem>> -> memref<1x128xi32, #tpu.memory_space<vmem>>
        %dma_start3A_479 = tpu.memref_squeeze %dma_start3A_478 : memref<1x128xi32, #tpu.memory_space<vmem>> -> memref<128xi32, #tpu.memory_space<vmem>>
        %dma_start3A_480 = arith.constant 0 : i32
        %dma_start3A_481 = arith.constant 0 : i32
        %dma_start3A_482 = tpu.memref_slice %arg7[%dma_start3A_480, %dma_start3A_481] : memref<32x128xf32, #tpu.memory_space<vmem_shared>> -> memref<32x128xf32, #tpu.memory_space<vmem_shared>>
        tpu.enqueue_indirect_dma source(%dma_start3A_482 : memref<32x128xf32, #tpu.memory_space<vmem_shared>>) target(%dma_start3A_476 : memref<128x128xf32, #tpu.memory_space<vmem>>) offsets(%dma_start3A_479 : memref<128xi32, #tpu.memory_space<vmem>>) semaphore(%arg8 : memref<!tpu.dma_semaphore, #tpu.memory_space<semaphore_mem>>)
      } else {
      }
      %add3A_344 = arith.constant 1 : i32
      %add3A_345 = arith.addi %add3A_303, %add3A_344 : i32
      %add3A_346 = arith.constant 3 : i32
      %add3A_347 = arith.addi %add3A_345, %add3A_346 : i32
      %lt3A_348 = arith.constant 800 : i32
      %lt3A_349 = arith.cmpi slt, %add3A_347, %lt3A_348 : i32
      %convert_element_type3A_350 = arith.extui %lt3A_349 : i1 to i32
      %cond3A_351 = arith.constant 0 : i32
      %cond3A_352 = arith.cmpi ne, %convert_element_type3A_350, %cond3A_351 : i32
      scf.if %cond3A_352 {
        %add3A_455 = arith.constant 1 : i32
        %add3A_456 = arith.addi %add3A_303, %add3A_455 : i32
        %add3A_457 = arith.constant 3 : i32
        %add3A_458 = arith.addi %add3A_456, %add3A_457 : i32
        %add3A_459 = arith.addi %select_n3A, %add3A_458 : i32
        %dma_start3A_460 = arith.constant 1 : i32
        %dma_start3A_461 = arith.constant 0 : i32
        %dma_start3A_462 = tpu.memref_slice %arg5[%dma_start3A_460, %dma_start3A_461] : memref<5x128xi32, #tpu.memory_space<vmem>> -> memref<1x128xi32, #tpu.memory_space<vmem>>
        %dma_start3A_463 = tpu.memref_squeeze %dma_start3A_462 : memref<1x128xi32, #tpu.memory_space<vmem>> -> memref<128xi32, #tpu.memory_space<vmem>>
        %dma_start3A_464 = arith.constant 0 : i32
        %dma_start3A_465 = tpu.memref_slice %arg2[%add3A_459, %dma_start3A_464] : memref<25600x128xi32, #tpu.memory_space<hbm>> -> memref<1x128xi32, #tpu.memory_space<hbm>>
        %dma_start3A_466 = tpu.memref_squeeze %dma_start3A_465 : memref<1x128xi32, #tpu.memory_space<hbm>> -> memref<128xi32, #tpu.memory_space<hbm>>
        %dma_start3A_467 = arith.constant 0 : i32
        %dma_start3A_468 = tpu.memref_slice %arg5[%dma_start3A_460, %dma_start3A_467] : memref<5x128xi32, #tpu.memory_space<vmem>> -> memref<1x128xi32, #tpu.memory_space<vmem>>
        %dma_start3A_469 = tpu.memref_squeeze %dma_start3A_468 : memref<1x128xi32, #tpu.memory_space<vmem>> -> memref<128xi32, #tpu.memory_space<vmem>>
        %dma_start3A_470 = arith.constant 0 : i32
        %dma_start3A_471 = tpu.memref_slice %arg2[%add3A_459, %dma_start3A_470] : memref<25600x128xi32, #tpu.memory_space<hbm>> -> memref<1x128xi32, #tpu.memory_space<hbm>>
        %dma_start3A_472 = tpu.memref_squeeze %dma_start3A_471 : memref<1x128xi32, #tpu.memory_space<hbm>> -> memref<128xi32, #tpu.memory_space<hbm>>
        tpu.enqueue_dma source(%dma_start3A_472 : memref<128xi32, #tpu.memory_space<hbm>>) target(%dma_start3A_469 : memref<128xi32, #tpu.memory_space<vmem>>) target_semaphore(%arg19 : memref<!tpu.dma_semaphore, #tpu.memory_space<semaphore_mem>>)
      } else {
      }
      %add3A_353 = arith.constant 3 : i32
      %add3A_354 = arith.addi %mul3A_201, %add3A_353 : i32
      %dma_wait3A_355 = arith.constant 3 : i32
      %dma_wait3A_356 = arith.constant 3 : i32
      %dma_wait3A_357 = arith.constant 0 : i32
      %dma_wait3A_358 = arith.constant 0 : i32
      %dma_wait3A_359 = tpu.memref_slice %arg6[%dma_wait3A_356, %dma_wait3A_357, %dma_wait3A_358] : memref<5x128x128xf32, #tpu.memory_space<vmem>> -> memref<1x128x128xf32, #tpu.memory_space<vmem>>
      %dma_wait3A_360 = tpu.memref_squeeze %dma_wait3A_359 : memref<1x128x128xf32, #tpu.memory_space<vmem>> -> memref<128x128xf32, #tpu.memory_space<vmem>>
      %dma_wait3A_361 = arith.constant 0 : i32
      %dma_wait3A_362 = tpu.memref_slice %arg5[%dma_wait3A_355, %dma_wait3A_361] : memref<5x128xi32, #tpu.memory_space<vmem>> -> memref<1x128xi32, #tpu.memory_space<vmem>>
      %dma_wait3A_363 = tpu.memref_squeeze %dma_wait3A_362 : memref<1x128xi32, #tpu.memory_space<vmem>> -> memref<128xi32, #tpu.memory_space<vmem>>
      %dma_wait3A_364 = arith.constant 0 : i32
      %dma_wait3A_365 = arith.constant 0 : i32
      %dma_wait3A_366 = tpu.memref_slice %arg7[%dma_wait3A_364, %dma_wait3A_365] : memref<32x128xf32, #tpu.memory_space<vmem_shared>> -> memref<32x128xf32, #tpu.memory_space<vmem_shared>>
      tpu.wait_indirect_dma semaphore(%arg11 : memref<!tpu.dma_semaphore, #tpu.memory_space<semaphore_mem>>) src(%dma_wait3A_366 : memref<32x128xf32, #tpu.memory_space<vmem_shared>>) dst(%dma_wait3A_360 : memref<128x128xf32, #tpu.memory_space<vmem>>)
      %add3A_367 = arith.addi %select_n3A, %add3A_354 : i32
      %mul3A_368 = arith.constant 128 : i32
      %mul3A_369 = arith.muli %add3A_367, %mul3A_368 : i32
      %dma_start3A_370 = arith.constant 3 : i32
      %dma_start3A_371 = arith.constant 0 : i32
      %dma_start3A_372 = arith.constant 0 : i32
      %dma_start3A_373 = tpu.memref_slice %arg6[%dma_start3A_370, %dma_start3A_371, %dma_start3A_372] : memref<5x128x128xf32, #tpu.memory_space<vmem>> -> memref<1x128x128xf32, #tpu.memory_space<vmem>>
      %dma_start3A_374 = tpu.memref_squeeze %dma_start3A_373 : memref<1x128x128xf32, #tpu.memory_space<vmem>> -> memref<128x128xf32, #tpu.memory_space<vmem>>
      %dma_start3A_375 = arith.constant 0 : i32
      %dma_start3A_376 = tpu.memref_slice %arg4[%mul3A_369, %dma_start3A_375] : memref<3276800x128xf32, #tpu.memory_space<hbm>> -> memref<128x128xf32, #tpu.memory_space<hbm>>
      %dma_start3A_377 = arith.constant 0 : i32
      %dma_start3A_378 = tpu.memref_slice %arg4[%mul3A_369, %dma_start3A_377] : memref<3276800x128xf32, #tpu.memory_space<hbm>> -> memref<128x128xf32, #tpu.memory_space<hbm>>
      %dma_start3A_379 = arith.constant 0 : i32
      %dma_start3A_380 = arith.constant 0 : i32
      %dma_start3A_381 = tpu.memref_slice %arg6[%dma_start3A_370, %dma_start3A_379, %dma_start3A_380] : memref<5x128x128xf32, #tpu.memory_space<vmem>> -> memref<1x128x128xf32, #tpu.memory_space<vmem>>
      %dma_start3A_382 = tpu.memref_squeeze %dma_start3A_381 : memref<1x128x128xf32, #tpu.memory_space<vmem>> -> memref<128x128xf32, #tpu.memory_space<vmem>>
      tpu.enqueue_dma source(%dma_start3A_382 : memref<128x128xf32, #tpu.memory_space<vmem>>) target(%dma_start3A_378 : memref<128x128xf32, #tpu.memory_space<hbm>>) target_semaphore(%arg16 : memref<!tpu.dma_semaphore, #tpu.memory_space<semaphore_mem>>)
      %ge3A_383 = arith.constant 2 : i32
      %ge3A_384 = arith.cmpi sge, %add3A_354, %ge3A_383 : i32
      %convert_element_type3A_385 = arith.extui %ge3A_384 : i1 to i32
      %cond3A_386 = arith.constant 0 : i32
      %cond3A_387 = arith.cmpi ne, %convert_element_type3A_385, %cond3A_386 : i32
      scf.if %cond3A_387 {
        %sub3A_455 = arith.constant 2 : i32
        %sub3A_456 = arith.subi %add3A_354, %sub3A_455 : i32
        %add3A_457 = arith.addi %select_n3A, %sub3A_456 : i32
        %mul3A_458 = arith.constant 128 : i32
        %mul3A_459 = arith.muli %add3A_457, %mul3A_458 : i32
        %dma_wait3A_460 = arith.constant 1 : i32
        %dma_wait3A_461 = arith.constant 0 : i32
        %dma_wait3A_462 = arith.constant 0 : i32
        %dma_wait3A_463 = tpu.memref_slice %arg6[%dma_wait3A_460, %dma_wait3A_461, %dma_wait3A_462] : memref<5x128x128xf32, #tpu.memory_space<vmem>> -> memref<1x128x128xf32, #tpu.memory_space<vmem>>
        %dma_wait3A_464 = tpu.memref_squeeze %dma_wait3A_463 : memref<1x128x128xf32, #tpu.memory_space<vmem>> -> memref<128x128xf32, #tpu.memory_space<vmem>>
        %dma_wait3A_465 = arith.constant 0 : i32
        %dma_wait3A_466 = tpu.memref_slice %arg4[%mul3A_459, %dma_wait3A_465] : memref<3276800x128xf32, #tpu.memory_space<hbm>> -> memref<128x128xf32, #tpu.memory_space<hbm>>
        %dma_wait3A_467 = arith.constant 0 : i32
        %dma_wait3A_468 = tpu.memref_slice %arg4[%mul3A_459, %dma_wait3A_467] : memref<3276800x128xf32, #tpu.memory_space<hbm>> -> memref<128x128xf32, #tpu.memory_space<hbm>>
        %dma_wait3A_469 = arith.constant 0 : i32
        %dma_wait3A_470 = arith.constant 0 : i32
        %dma_wait3A_471 = tpu.memref_slice %arg6[%dma_wait3A_460, %dma_wait3A_469, %dma_wait3A_470] : memref<5x128x128xf32, #tpu.memory_space<vmem>> -> memref<1x128x128xf32, #tpu.memory_space<vmem>>
        %dma_wait3A_472 = tpu.memref_squeeze %dma_wait3A_471 : memref<1x128x128xf32, #tpu.memory_space<vmem>> -> memref<128x128xf32, #tpu.memory_space<vmem>>
        tpu.wait_dma2 semaphore(%arg14 : memref<!tpu.dma_semaphore, #tpu.memory_space<semaphore_mem>>) src(%dma_wait3A_472 : memref<128x128xf32, #tpu.memory_space<vmem>>) dst(%dma_wait3A_468 : memref<128x128xf32, #tpu.memory_space<hbm>>)
      } else {
      }
      %add3A_388 = arith.constant 3 : i32
      %add3A_389 = arith.addi %add3A_354, %add3A_388 : i32
      %lt3A_390 = arith.constant 800 : i32
      %lt3A_391 = arith.cmpi slt, %add3A_389, %lt3A_390 : i32
      %convert_element_type3A_392 = arith.extui %lt3A_391 : i1 to i32
      %cond3A_393 = arith.constant 0 : i32
      %cond3A_394 = arith.cmpi ne, %convert_element_type3A_392, %cond3A_393 : i32
      scf.if %cond3A_394 {
        %add3A_455 = arith.constant 3 : i32
        %add3A_456 = arith.addi %add3A_354, %add3A_455 : i32
        %add3A_457 = arith.addi %select_n3A, %add3A_456 : i32
        %dma_wait3A_458 = arith.constant 1 : i32
        %dma_wait3A_459 = arith.constant 0 : i32
        %dma_wait3A_460 = tpu.memref_slice %arg5[%dma_wait3A_458, %dma_wait3A_459] : memref<5x128xi32, #tpu.memory_space<vmem>> -> memref<1x128xi32, #tpu.memory_space<vmem>>
        %dma_wait3A_461 = tpu.memref_squeeze %dma_wait3A_460 : memref<1x128xi32, #tpu.memory_space<vmem>> -> memref<128xi32, #tpu.memory_space<vmem>>
        %dma_wait3A_462 = arith.constant 0 : i32
        %dma_wait3A_463 = tpu.memref_slice %arg2[%add3A_457, %dma_wait3A_462] : memref<25600x128xi32, #tpu.memory_space<hbm>> -> memref<1x128xi32, #tpu.memory_space<hbm>>
        %dma_wait3A_464 = tpu.memref_squeeze %dma_wait3A_463 : memref<1x128xi32, #tpu.memory_space<hbm>> -> memref<128xi32, #tpu.memory_space<hbm>>
        %dma_wait3A_465 = arith.constant 0 : i32
        %dma_wait3A_466 = tpu.memref_slice %arg5[%dma_wait3A_458, %dma_wait3A_465] : memref<5x128xi32, #tpu.memory_space<vmem>> -> memref<1x128xi32, #tpu.memory_space<vmem>>
        %dma_wait3A_467 = tpu.memref_squeeze %dma_wait3A_466 : memref<1x128xi32, #tpu.memory_space<vmem>> -> memref<128xi32, #tpu.memory_space<vmem>>
        %dma_wait3A_468 = arith.constant 0 : i32
        %dma_wait3A_469 = tpu.memref_slice %arg2[%add3A_457, %dma_wait3A_468] : memref<25600x128xi32, #tpu.memory_space<hbm>> -> memref<1x128xi32, #tpu.memory_space<hbm>>
        %dma_wait3A_470 = tpu.memref_squeeze %dma_wait3A_469 : memref<1x128xi32, #tpu.memory_space<hbm>> -> memref<128xi32, #tpu.memory_space<hbm>>
        tpu.wait_dma2 semaphore(%arg19 : memref<!tpu.dma_semaphore, #tpu.memory_space<semaphore_mem>>) src(%dma_wait3A_470 : memref<128xi32, #tpu.memory_space<hbm>>) dst(%dma_wait3A_467 : memref<128xi32, #tpu.memory_space<vmem>>)
        %dma_start3A_471 = arith.constant 1 : i32
        %dma_start3A_472 = arith.constant 1 : i32
        %dma_start3A_473 = arith.constant 0 : i32
        %dma_start3A_474 = arith.constant 0 : i32
        %dma_start3A_475 = tpu.memref_slice %arg6[%dma_start3A_472, %dma_start3A_473, %dma_start3A_474] : memref<5x128x128xf32, #tpu.memory_space<vmem>> -> memref<1x128x128xf32, #tpu.memory_space<vmem>>
        %dma_start3A_476 = tpu.memref_squeeze %dma_start3A_475 : memref<1x128x128xf32, #tpu.memory_space<vmem>> -> memref<128x128xf32, #tpu.memory_space<vmem>>
        %dma_start3A_477 = arith.constant 0 : i32
        %dma_start3A_478 = tpu.memref_slice %arg5[%dma_start3A_471, %dma_start3A_477] : memref<5x128xi32, #tpu.memory_space<vmem>> -> memref<1x128xi32, #tpu.memory_space<vmem>>
        %dma_start3A_479 = tpu.memref_squeeze %dma_start3A_478 : memref<1x128xi32, #tpu.memory_space<vmem>> -> memref<128xi32, #tpu.memory_space<vmem>>
        %dma_start3A_480 = arith.constant 0 : i32
        %dma_start3A_481 = arith.constant 0 : i32
        %dma_start3A_482 = tpu.memref_slice %arg7[%dma_start3A_480, %dma_start3A_481] : memref<32x128xf32, #tpu.memory_space<vmem_shared>> -> memref<32x128xf32, #tpu.memory_space<vmem_shared>>
        tpu.enqueue_indirect_dma source(%dma_start3A_482 : memref<32x128xf32, #tpu.memory_space<vmem_shared>>) target(%dma_start3A_476 : memref<128x128xf32, #tpu.memory_space<vmem>>) offsets(%dma_start3A_479 : memref<128xi32, #tpu.memory_space<vmem>>) semaphore(%arg9 : memref<!tpu.dma_semaphore, #tpu.memory_space<semaphore_mem>>)
      } else {
      }
      %add3A_395 = arith.constant 1 : i32
      %add3A_396 = arith.addi %add3A_354, %add3A_395 : i32
      %add3A_397 = arith.constant 3 : i32
      %add3A_398 = arith.addi %add3A_396, %add3A_397 : i32
      %lt3A_399 = arith.constant 800 : i32
      %lt3A_400 = arith.cmpi slt, %add3A_398, %lt3A_399 : i32
      %convert_element_type3A_401 = arith.extui %lt3A_400 : i1 to i32
      %cond3A_402 = arith.constant 0 : i32
      %cond3A_403 = arith.cmpi ne, %convert_element_type3A_401, %cond3A_402 : i32
      scf.if %cond3A_403 {
        %add3A_455 = arith.constant 1 : i32
        %add3A_456 = arith.addi %add3A_354, %add3A_455 : i32
        %add3A_457 = arith.constant 3 : i32
        %add3A_458 = arith.addi %add3A_456, %add3A_457 : i32
        %add3A_459 = arith.addi %select_n3A, %add3A_458 : i32
        %dma_start3A_460 = arith.constant 2 : i32
        %dma_start3A_461 = arith.constant 0 : i32
        %dma_start3A_462 = tpu.memref_slice %arg5[%dma_start3A_460, %dma_start3A_461] : memref<5x128xi32, #tpu.memory_space<vmem>> -> memref<1x128xi32, #tpu.memory_space<vmem>>
        %dma_start3A_463 = tpu.memref_squeeze %dma_start3A_462 : memref<1x128xi32, #tpu.memory_space<vmem>> -> memref<128xi32, #tpu.memory_space<vmem>>
        %dma_start3A_464 = arith.constant 0 : i32
        %dma_start3A_465 = tpu.memref_slice %arg2[%add3A_459, %dma_start3A_464] : memref<25600x128xi32, #tpu.memory_space<hbm>> -> memref<1x128xi32, #tpu.memory_space<hbm>>
        %dma_start3A_466 = tpu.memref_squeeze %dma_start3A_465 : memref<1x128xi32, #tpu.memory_space<hbm>> -> memref<128xi32, #tpu.memory_space<hbm>>
        %dma_start3A_467 = arith.constant 0 : i32
        %dma_start3A_468 = tpu.memref_slice %arg5[%dma_start3A_460, %dma_start3A_467] : memref<5x128xi32, #tpu.memory_space<vmem>> -> memref<1x128xi32, #tpu.memory_space<vmem>>
        %dma_start3A_469 = tpu.memref_squeeze %dma_start3A_468 : memref<1x128xi32, #tpu.memory_space<vmem>> -> memref<128xi32, #tpu.memory_space<vmem>>
        %dma_start3A_470 = arith.constant 0 : i32
        %dma_start3A_471 = tpu.memref_slice %arg2[%add3A_459, %dma_start3A_470] : memref<25600x128xi32, #tpu.memory_space<hbm>> -> memref<1x128xi32, #tpu.memory_space<hbm>>
        %dma_start3A_472 = tpu.memref_squeeze %dma_start3A_471 : memref<1x128xi32, #tpu.memory_space<hbm>> -> memref<128xi32, #tpu.memory_space<hbm>>
        tpu.enqueue_dma source(%dma_start3A_472 : memref<128xi32, #tpu.memory_space<hbm>>) target(%dma_start3A_469 : memref<128xi32, #tpu.memory_space<vmem>>) target_semaphore(%arg20 : memref<!tpu.dma_semaphore, #tpu.memory_space<semaphore_mem>>)
      } else {
      }
      %add3A_404 = arith.constant 4 : i32
      %add3A_405 = arith.addi %mul3A_201, %add3A_404 : i32
      %dma_wait3A_406 = arith.constant 4 : i32
      %dma_wait3A_407 = arith.constant 4 : i32
      %dma_wait3A_408 = arith.constant 0 : i32
      %dma_wait3A_409 = arith.constant 0 : i32
      %dma_wait3A_410 = tpu.memref_slice %arg6[%dma_wait3A_407, %dma_wait3A_408, %dma_wait3A_409] : memref<5x128x128xf32, #tpu.memory_space<vmem>> -> memref<1x128x128xf32, #tpu.memory_space<vmem>>
      %dma_wait3A_411 = tpu.memref_squeeze %dma_wait3A_410 : memref<1x128x128xf32, #tpu.memory_space<vmem>> -> memref<128x128xf32, #tpu.memory_space<vmem>>
      %dma_wait3A_412 = arith.constant 0 : i32
      %dma_wait3A_413 = tpu.memref_slice %arg5[%dma_wait3A_406, %dma_wait3A_412] : memref<5x128xi32, #tpu.memory_space<vmem>> -> memref<1x128xi32, #tpu.memory_space<vmem>>
      %dma_wait3A_414 = tpu.memref_squeeze %dma_wait3A_413 : memref<1x128xi32, #tpu.memory_space<vmem>> -> memref<128xi32, #tpu.memory_space<vmem>>
      %dma_wait3A_415 = arith.constant 0 : i32
      %dma_wait3A_416 = arith.constant 0 : i32
      %dma_wait3A_417 = tpu.memref_slice %arg7[%dma_wait3A_415, %dma_wait3A_416] : memref<32x128xf32, #tpu.memory_space<vmem_shared>> -> memref<32x128xf32, #tpu.memory_space<vmem_shared>>
      tpu.wait_indirect_dma semaphore(%arg12 : memref<!tpu.dma_semaphore, #tpu.memory_space<semaphore_mem>>) src(%dma_wait3A_417 : memref<32x128xf32, #tpu.memory_space<vmem_shared>>) dst(%dma_wait3A_411 : memref<128x128xf32, #tpu.memory_space<vmem>>)
      %add3A_418 = arith.addi %select_n3A, %add3A_405 : i32
      %mul3A_419 = arith.constant 128 : i32
      %mul3A_420 = arith.muli %add3A_418, %mul3A_419 : i32
      %dma_start3A_421 = arith.constant 4 : i32
      %dma_start3A_422 = arith.constant 0 : i32
      %dma_start3A_423 = arith.constant 0 : i32
      %dma_start3A_424 = tpu.memref_slice %arg6[%dma_start3A_421, %dma_start3A_422, %dma_start3A_423] : memref<5x128x128xf32, #tpu.memory_space<vmem>> -> memref<1x128x128xf32, #tpu.memory_space<vmem>>
      %dma_start3A_425 = tpu.memref_squeeze %dma_start3A_424 : memref<1x128x128xf32, #tpu.memory_space<vmem>> -> memref<128x128xf32, #tpu.memory_space<vmem>>
      %dma_start3A_426 = arith.constant 0 : i32
      %dma_start3A_427 = tpu.memref_slice %arg4[%mul3A_420, %dma_start3A_426] : memref<3276800x128xf32, #tpu.memory_space<hbm>> -> memref<128x128xf32, #tpu.memory_space<hbm>>
      %dma_start3A_428 = arith.constant 0 : i32
      %dma_start3A_429 = tpu.memref_slice %arg4[%mul3A_420, %dma_start3A_428] : memref<3276800x128xf32, #tpu.memory_space<hbm>> -> memref<128x128xf32, #tpu.memory_space<hbm>>
      %dma_start3A_430 = arith.constant 0 : i32
      %dma_start3A_431 = arith.constant 0 : i32
      %dma_start3A_432 = tpu.memref_slice %arg6[%dma_start3A_421, %dma_start3A_430, %dma_start3A_431] : memref<5x128x128xf32, #tpu.memory_space<vmem>> -> memref<1x128x128xf32, #tpu.memory_space<vmem>>
      %dma_start3A_433 = tpu.memref_squeeze %dma_start3A_432 : memref<1x128x128xf32, #tpu.memory_space<vmem>> -> memref<128x128xf32, #tpu.memory_space<vmem>>
      tpu.enqueue_dma source(%dma_start3A_433 : memref<128x128xf32, #tpu.memory_space<vmem>>) target(%dma_start3A_429 : memref<128x128xf32, #tpu.memory_space<hbm>>) target_semaphore(%arg17 : memref<!tpu.dma_semaphore, #tpu.memory_space<semaphore_mem>>)
      %ge3A_434 = arith.constant 2 : i32
      %ge3A_435 = arith.cmpi sge, %add3A_405, %ge3A_434 : i32
      %convert_element_type3A_436 = arith.extui %ge3A_435 : i1 to i32
      %cond3A_437 = arith.constant 0 : i32
      %cond3A_438 = arith.cmpi ne, %convert_element_type3A_436, %cond3A_437 : i32
      scf.if %cond3A_438 {
        %sub3A_455 = arith.constant 2 : i32
        %sub3A_456 = arith.subi %add3A_405, %sub3A_455 : i32
        %add3A_457 = arith.addi %select_n3A, %sub3A_456 : i32
        %mul3A_458 = arith.constant 128 : i32
        %mul3A_459 = arith.muli %add3A_457, %mul3A_458 : i32
        %dma_wait3A_460 = arith.constant 2 : i32
        %dma_wait3A_461 = arith.constant 0 : i32
        %dma_wait3A_462 = arith.constant 0 : i32
        %dma_wait3A_463 = tpu.memref_slice %arg6[%dma_wait3A_460, %dma_wait3A_461, %dma_wait3A_462] : memref<5x128x128xf32, #tpu.memory_space<vmem>> -> memref<1x128x128xf32, #tpu.memory_space<vmem>>
        %dma_wait3A_464 = tpu.memref_squeeze %dma_wait3A_463 : memref<1x128x128xf32, #tpu.memory_space<vmem>> -> memref<128x128xf32, #tpu.memory_space<vmem>>
        %dma_wait3A_465 = arith.constant 0 : i32
        %dma_wait3A_466 = tpu.memref_slice %arg4[%mul3A_459, %dma_wait3A_465] : memref<3276800x128xf32, #tpu.memory_space<hbm>> -> memref<128x128xf32, #tpu.memory_space<hbm>>
        %dma_wait3A_467 = arith.constant 0 : i32
        %dma_wait3A_468 = tpu.memref_slice %arg4[%mul3A_459, %dma_wait3A_467] : memref<3276800x128xf32, #tpu.memory_space<hbm>> -> memref<128x128xf32, #tpu.memory_space<hbm>>
        %dma_wait3A_469 = arith.constant 0 : i32
        %dma_wait3A_470 = arith.constant 0 : i32
        %dma_wait3A_471 = tpu.memref_slice %arg6[%dma_wait3A_460, %dma_wait3A_469, %dma_wait3A_470] : memref<5x128x128xf32, #tpu.memory_space<vmem>> -> memref<1x128x128xf32, #tpu.memory_space<vmem>>
        %dma_wait3A_472 = tpu.memref_squeeze %dma_wait3A_471 : memref<1x128x128xf32, #tpu.memory_space<vmem>> -> memref<128x128xf32, #tpu.memory_space<vmem>>
        tpu.wait_dma2 semaphore(%arg15 : memref<!tpu.dma_semaphore, #tpu.memory_space<semaphore_mem>>) src(%dma_wait3A_472 : memref<128x128xf32, #tpu.memory_space<vmem>>) dst(%dma_wait3A_468 : memref<128x128xf32, #tpu.memory_space<hbm>>)
      } else {
      }
      %add3A_439 = arith.constant 3 : i32
      %add3A_440 = arith.addi %add3A_405, %add3A_439 : i32
      %lt3A_441 = arith.constant 800 : i32
      %lt3A_442 = arith.cmpi slt, %add3A_440, %lt3A_441 : i32
      %convert_element_type3A_443 = arith.extui %lt3A_442 : i1 to i32
      %cond3A_444 = arith.constant 0 : i32
      %cond3A_445 = arith.cmpi ne, %convert_element_type3A_443, %cond3A_444 : i32
      scf.if %cond3A_445 {
        %add3A_455 = arith.constant 3 : i32
        %add3A_456 = arith.addi %add3A_405, %add3A_455 : i32
        %add3A_457 = arith.addi %select_n3A, %add3A_456 : i32
        %dma_wait3A_458 = arith.constant 2 : i32
        %dma_wait3A_459 = arith.constant 0 : i32
        %dma_wait3A_460 = tpu.memref_slice %arg5[%dma_wait3A_458, %dma_wait3A_459] : memref<5x128xi32, #tpu.memory_space<vmem>> -> memref<1x128xi32, #tpu.memory_space<vmem>>
        %dma_wait3A_461 = tpu.memref_squeeze %dma_wait3A_460 : memref<1x128xi32, #tpu.memory_space<vmem>> -> memref<128xi32, #tpu.memory_space<vmem>>
        %dma_wait3A_462 = arith.constant 0 : i32
        %dma_wait3A_463 = tpu.memref_slice %arg2[%add3A_457, %dma_wait3A_462] : memref<25600x128xi32, #tpu.memory_space<hbm>> -> memref<1x128xi32, #tpu.memory_space<hbm>>
        %dma_wait3A_464 = tpu.memref_squeeze %dma_wait3A_463 : memref<1x128xi32, #tpu.memory_space<hbm>> -> memref<128xi32, #tpu.memory_space<hbm>>
        %dma_wait3A_465 = arith.constant 0 : i32
        %dma_wait3A_466 = tpu.memref_slice %arg5[%dma_wait3A_458, %dma_wait3A_465] : memref<5x128xi32, #tpu.memory_space<vmem>> -> memref<1x128xi32, #tpu.memory_space<vmem>>
        %dma_wait3A_467 = tpu.memref_squeeze %dma_wait3A_466 : memref<1x128xi32, #tpu.memory_space<vmem>> -> memref<128xi32, #tpu.memory_space<vmem>>
        %dma_wait3A_468 = arith.constant 0 : i32
        %dma_wait3A_469 = tpu.memref_slice %arg2[%add3A_457, %dma_wait3A_468] : memref<25600x128xi32, #tpu.memory_space<hbm>> -> memref<1x128xi32, #tpu.memory_space<hbm>>
        %dma_wait3A_470 = tpu.memref_squeeze %dma_wait3A_469 : memref<1x128xi32, #tpu.memory_space<hbm>> -> memref<128xi32, #tpu.memory_space<hbm>>
        tpu.wait_dma2 semaphore(%arg20 : memref<!tpu.dma_semaphore, #tpu.memory_space<semaphore_mem>>) src(%dma_wait3A_470 : memref<128xi32, #tpu.memory_space<hbm>>) dst(%dma_wait3A_467 : memref<128xi32, #tpu.memory_space<vmem>>)
        %dma_start3A_471 = arith.constant 2 : i32
        %dma_start3A_472 = arith.constant 2 : i32
        %dma_start3A_473 = arith.constant 0 : i32
        %dma_start3A_474 = arith.constant 0 : i32
        %dma_start3A_475 = tpu.memref_slice %arg6[%dma_start3A_472, %dma_start3A_473, %dma_start3A_474] : memref<5x128x128xf32, #tpu.memory_space<vmem>> -> memref<1x128x128xf32, #tpu.memory_space<vmem>>
        %dma_start3A_476 = tpu.memref_squeeze %dma_start3A_475 : memref<1x128x128xf32, #tpu.memory_space<vmem>> -> memref<128x128xf32, #tpu.memory_space<vmem>>
        %dma_start3A_477 = arith.constant 0 : i32
        %dma_start3A_478 = tpu.memref_slice %arg5[%dma_start3A_471, %dma_start3A_477] : memref<5x128xi32, #tpu.memory_space<vmem>> -> memref<1x128xi32, #tpu.memory_space<vmem>>
        %dma_start3A_479 = tpu.memref_squeeze %dma_start3A_478 : memref<1x128xi32, #tpu.memory_space<vmem>> -> memref<128xi32, #tpu.memory_space<vmem>>
        %dma_start3A_480 = arith.constant 0 : i32
        %dma_start3A_481 = arith.constant 0 : i32
        %dma_start3A_482 = tpu.memref_slice %arg7[%dma_start3A_480, %dma_start3A_481] : memref<32x128xf32, #tpu.memory_space<vmem_shared>> -> memref<32x128xf32, #tpu.memory_space<vmem_shared>>
        tpu.enqueue_indirect_dma source(%dma_start3A_482 : memref<32x128xf32, #tpu.memory_space<vmem_shared>>) target(%dma_start3A_476 : memref<128x128xf32, #tpu.memory_space<vmem>>) offsets(%dma_start3A_479 : memref<128xi32, #tpu.memory_space<vmem>>) semaphore(%arg10 : memref<!tpu.dma_semaphore, #tpu.memory_space<semaphore_mem>>)
      } else {
      }
      %add3A_446 = arith.constant 1 : i32
      %add3A_447 = arith.addi %add3A_405, %add3A_446 : i32
      %add3A_448 = arith.constant 3 : i32
      %add3A_449 = arith.addi %add3A_447, %add3A_448 : i32
      %lt3A_450 = arith.constant 800 : i32
      %lt3A_451 = arith.cmpi slt, %add3A_449, %lt3A_450 : i32
      %convert_element_type3A_452 = arith.extui %lt3A_451 : i1 to i32
      %cond3A_453 = arith.constant 0 : i32
      %cond3A_454 = arith.cmpi ne, %convert_element_type3A_452, %cond3A_453 : i32
      scf.if %cond3A_454 {
        %add3A_455 = arith.constant 1 : i32
        %add3A_456 = arith.addi %add3A_405, %add3A_455 : i32
        %add3A_457 = arith.constant 3 : i32
        %add3A_458 = arith.addi %add3A_456, %add3A_457 : i32
        %add3A_459 = arith.addi %select_n3A, %add3A_458 : i32
        %dma_start3A_460 = arith.constant 3 : i32
        %dma_start3A_461 = arith.constant 0 : i32
        %dma_start3A_462 = tpu.memref_slice %arg5[%dma_start3A_460, %dma_start3A_461] : memref<5x128xi32, #tpu.memory_space<vmem>> -> memref<1x128xi32, #tpu.memory_space<vmem>>
        %dma_start3A_463 = tpu.memref_squeeze %dma_start3A_462 : memref<1x128xi32, #tpu.memory_space<vmem>> -> memref<128xi32, #tpu.memory_space<vmem>>
        %dma_start3A_464 = arith.constant 0 : i32
        %dma_start3A_465 = tpu.memref_slice %arg2[%add3A_459, %dma_start3A_464] : memref<25600x128xi32, #tpu.memory_space<hbm>> -> memref<1x128xi32, #tpu.memory_space<hbm>>
        %dma_start3A_466 = tpu.memref_squeeze %dma_start3A_465 : memref<1x128xi32, #tpu.memory_space<hbm>> -> memref<128xi32, #tpu.memory_space<hbm>>
        %dma_start3A_467 = arith.constant 0 : i32
        %dma_start3A_468 = tpu.memref_slice %arg5[%dma_start3A_460, %dma_start3A_467] : memref<5x128xi32, #tpu.memory_space<vmem>> -> memref<1x128xi32, #tpu.memory_space<vmem>>
        %dma_start3A_469 = tpu.memref_squeeze %dma_start3A_468 : memref<1x128xi32, #tpu.memory_space<vmem>> -> memref<128xi32, #tpu.memory_space<vmem>>
        %dma_start3A_470 = arith.constant 0 : i32
        %dma_start3A_471 = tpu.memref_slice %arg2[%add3A_459, %dma_start3A_470] : memref<25600x128xi32, #tpu.memory_space<hbm>> -> memref<1x128xi32, #tpu.memory_space<hbm>>
        %dma_start3A_472 = tpu.memref_squeeze %dma_start3A_471 : memref<1x128xi32, #tpu.memory_space<hbm>> -> memref<128xi32, #tpu.memory_space<hbm>>
        tpu.enqueue_dma source(%dma_start3A_472 : memref<128xi32, #tpu.memory_space<hbm>>) target(%dma_start3A_469 : memref<128xi32, #tpu.memory_space<vmem>>) target_semaphore(%arg21 : memref<!tpu.dma_semaphore, #tpu.memory_space<semaphore_mem>>)
      } else {
      }
    }
    %scan3A_164 = arith.constant 160 : i32
    %add3A_165 = arith.constant 798 : i32
    %add3A_166 = arith.addi %select_n3A, %add3A_165 : i32
    %mul3A_167 = arith.constant 128 : i32
    %mul3A_168 = arith.muli %add3A_166, %mul3A_167 : i32
    %dma_wait3A_169 = arith.constant 3 : i32
    %dma_wait3A_170 = arith.constant 0 : i32
    %dma_wait3A_171 = arith.constant 0 : i32
    %dma_wait3A_172 = tpu.memref_slice %arg6[%dma_wait3A_169, %dma_wait3A_170, %dma_wait3A_171] : memref<5x128x128xf32, #tpu.memory_space<vmem>> -> memref<1x128x128xf32, #tpu.memory_space<vmem>>
    %dma_wait3A_173 = tpu.memref_squeeze %dma_wait3A_172 : memref<1x128x128xf32, #tpu.memory_space<vmem>> -> memref<128x128xf32, #tpu.memory_space<vmem>>
    %dma_wait3A_174 = arith.constant 0 : i32
    %dma_wait3A_175 = tpu.memref_slice %arg4[%mul3A_168, %dma_wait3A_174] : memref<3276800x128xf32, #tpu.memory_space<hbm>> -> memref<128x128xf32, #tpu.memory_space<hbm>>
    %dma_wait3A_176 = arith.constant 0 : i32
    %dma_wait3A_177 = tpu.memref_slice %arg4[%mul3A_168, %dma_wait3A_176] : memref<3276800x128xf32, #tpu.memory_space<hbm>> -> memref<128x128xf32, #tpu.memory_space<hbm>>
    %dma_wait3A_178 = arith.constant 0 : i32
    %dma_wait3A_179 = arith.constant 0 : i32
    %dma_wait3A_180 = tpu.memref_slice %arg6[%dma_wait3A_169, %dma_wait3A_178, %dma_wait3A_179] : memref<5x128x128xf32, #tpu.memory_space<vmem>> -> memref<1x128x128xf32, #tpu.memory_space<vmem>>
    %dma_wait3A_181 = tpu.memref_squeeze %dma_wait3A_180 : memref<1x128x128xf32, #tpu.memory_space<vmem>> -> memref<128x128xf32, #tpu.memory_space<vmem>>
    tpu.wait_dma2 semaphore(%arg16 : memref<!tpu.dma_semaphore, #tpu.memory_space<semaphore_mem>>) src(%dma_wait3A_181 : memref<128x128xf32, #tpu.memory_space<vmem>>) dst(%dma_wait3A_177 : memref<128x128xf32, #tpu.memory_space<hbm>>)
    %add3A_182 = arith.constant 799 : i32
    %add3A_183 = arith.addi %select_n3A, %add3A_182 : i32
    %mul3A_184 = arith.constant 128 : i32
    %mul3A_185 = arith.muli %add3A_183, %mul3A_184 : i32
    %dma_wait3A_186 = arith.constant 4 : i32
    %dma_wait3A_187 = arith.constant 0 : i32
    %dma_wait3A_188 = arith.constant 0 : i32
    %dma_wait3A_189 = tpu.memref_slice %arg6[%dma_wait3A_186, %dma_wait3A_187, %dma_wait3A_188] : memref<5x128x128xf32, #tpu.memory_space<vmem>> -> memref<1x128x128xf32, #tpu.memory_space<vmem>>
    %dma_wait3A_190 = tpu.memref_squeeze %dma_wait3A_189 : memref<1x128x128xf32, #tpu.memory_space<vmem>> -> memref<128x128xf32, #tpu.memory_space<vmem>>
    %dma_wait3A_191 = arith.constant 0 : i32
    %dma_wait3A_192 = tpu.memref_slice %arg4[%mul3A_185, %dma_wait3A_191] : memref<3276800x128xf32, #tpu.memory_space<hbm>> -> memref<128x128xf32, #tpu.memory_space<hbm>>
    %dma_wait3A_193 = arith.constant 0 : i32
    %dma_wait3A_194 = tpu.memref_slice %arg4[%mul3A_185, %dma_wait3A_193] : memref<3276800x128xf32, #tpu.memory_space<hbm>> -> memref<128x128xf32, #tpu.memory_space<hbm>>
    %dma_wait3A_195 = arith.constant 0 : i32
    %dma_wait3A_196 = arith.constant 0 : i32
    %dma_wait3A_197 = tpu.memref_slice %arg6[%dma_wait3A_186, %dma_wait3A_195, %dma_wait3A_196] : memref<5x128x128xf32, #tpu.memory_space<vmem>> -> memref<1x128x128xf32, #tpu.memory_space<vmem>>
    %dma_wait3A_198 = tpu.memref_squeeze %dma_wait3A_197 : memref<1x128x128xf32, #tpu.memory_space<vmem>> -> memref<128x128xf32, #tpu.memory_space<vmem>>
    tpu.wait_dma2 semaphore(%arg17 : memref<!tpu.dma_semaphore, #tpu.memory_space<semaphore_mem>>) src(%dma_wait3A_198 : memref<128x128xf32, #tpu.memory_space<vmem>>) dst(%dma_wait3A_194 : memref<128x128xf32, #tpu.memory_space<hbm>>)
    return
  }
}

</mosaic_0001>

<sc_bundles>
// kernel: kernel.3.cloned.1.call-start
scs
__scs_entry_jumppad:
0x0: {  	(pc) =	sbr.rel $0x88, $3  }
0x1: {  	(tag) =	ssettag $0x0;
	lr =	simm.s32 $0x1  }
0x2: {  	[smem:$0x3F9F] =	sst lr;
	_ =	strace $0xD0000000  }
0x3: {  	_ = 	snop  }
0x4: {  	_ = 	snop  }
0x5: {  	_ = 	snop  }
0x6: {  	_ = 	snop  }
0x7: {  	_ = 	snop  }
__scs_overlays_trampoline_lowered:
0x8: {  	[smem:$0x3FAE] =	sst s0  }
0x9: {  	[smem:$0x3FAF] =	sst s1  }
0xa: {  	[smem:$0x3FB0] =	sst s2  }
0xb: {  	[smem:$0x3FB1] =	sst s3  }
0xc: {  	[smem:$0x3FB2] =	sst s4  }
0xd: {  	[smem:$0x3FB3] =	sst s5  }
0xe: {  	[smem:$0x3FB4] =	sst s6  }
0xf: {  	[smem:$0x3FB5] =	sst s7  }
0x10: {  	[smem:$0x3FB6] =	sst s8  }
0x11: {  	[smem:$0x3FB7] =	sst s9;
	s0 =	simm.s32 @!p0 $0x0  }
0x12: {  	s1 =	sld [smem:$0x3F9D];
	s0 =	simm.s32 @p0 $0x1  }
0x13: {  	[smem:$0x3FB8] =	sst s0;
	s0 =	simm.s32 @!p1 $0x0  }
0x14: {  	s2 =	sld [smem:$0x3F9C];
	s0 =	simm.s32 @p1 $0x1  }
0x15: {  	[smem:$0x3FB9] =	sst s0;
	s0 =	simm.s32 @!p2 $0x0  }
0x16: {  	s3 =	sld [smem:$0x3FDB];
	s0 =	simm.s32 @p2 $0x1  }
0x17: {  	s4 =	simm.s32 $0x1BF5;
	[smem:$0x3FBB] =	sst s0  }
0x18: {  	s0 =	sld [smem:$0x3F9E];
	_ =	swait.ge [sflag:s4], $0x0  }
0x19: {  	s7 =	sld [smem:$0x3F9F]  }
0x1a: {  	s8 =	sadd.s32 $0xFFFFE003, lr  }
0x1b: {  	s9 =	sadd.s32 $0xFFFFFEF7, lr;
	s5 =	simm.s32 $0xFFFFFFFF;
	p2 =	slt.u32 s8, $0xFFFFF086  }
0x1c: {  	p1 =	slt.u32 s9, $0xF7A;
	s5 =	simm.s32 @!p2 $0x0  }
0x1d: {  	s5 =	simm.s32 @p1 $0x1;
	p0 =	seq.s32 s7, s2  }
0x1e: {  	s7 =	smul.u32 @!p0 $0xF7A, s2;
	p2 =	seq.s32 @!p0 s5, $0x0  }
0x1f: {  	s9 =	smul.u32 $0xF7A, s1;
	s8 =	simm.s32 @!p0 $0x1BF5;
	p2 =	por !p2, p0  }
0x20: {  	[sflag:s8] =	ssyncset.s32 @!p0 $0xFFFFF086;
	s6 =	sadd.s32 @!p0 s3, s7;
	s7 =	simm.s32 @!p0 $0x108  }
0x21: {  	s3 =	sadd.s32 s3, s9;
	s6 =	sadd.s32 @!p0 $0x88, s6;
	s7 =	simm.s32 @p2 $0x1082  }
0x22: {  	[simem:s7], [sflag:s8] =	dma.local @!p0 [hbm:s6], $0xF7A  }
0x23: {  	s9 =	sor.u32 $0xD0000000, s2;
	s6 =	simm.s32 $0x108;
	_ =	swait.ge @!p0 [sflag:s8], $0x0  }
0x24: {  	s3 =	sadd.s32 $0x88, s3;
	s6 =	simm.s32 @!p1 $0x1082;
	[sflag:s4] =	ssyncset.s32 $0xFFFFF086  }
0x25: {  	[simem:s6], [sflag:s4] =	dma.local [hbm:s3], $0xF7A  }
0x26: {  	[smem:$0x3F9F] =	sst s1;
	(tag) =	ssettag s2;
	_ =	strace s9  }
0x27: {  	s1 =	sld [smem:$0x3FAF]  }
0x28: {  	s2 =	sld [smem:$0x3FB0]  }
0x29: {  	s4 =	sld [smem:$0x3FB2]  }
0x2a: {  	p0 =	seq.s32 s5, $0x0;
	s5 =	sld [smem:$0x3FB3]  }
0x2b: {  	s6 =	sld [smem:$0x3FB4]  }
0x2c: {  	s7 =	sld [smem:$0x3FB5]  }
0x2d: {  	s3 =	simm.s32 $0x108;
	s8 =	sld [smem:$0x3FB6]  }
0x2e: {  	s3 =	simm.s32 @!p0 $0x1082;
	s9 =	sld [smem:$0x3FB7]  }
0x2f: {  	lr =	sadd.s32 s0, s3;
	s0 =	sld [smem:$0x3FAE]  }
0x30: {  	s3 =	sld [smem:$0x3FB1]  }
0x31: {  	[smem:$0x3FBA] =	sst s10  }
0x32: {  	s10 =	sld [smem:$0x3FB8];
	_ =	sdelay $0x3  }
0x33: {  	p0 =	seq.s32 s10, $0x1;
	s10 =	sld [smem:$0x3FBA];
	_ =	sdelay $0x3  }
0x34: {  	[smem:$0x3FBA] =	sst s10  }
0x35: {  	s10 =	sld [smem:$0x3FB9];
	_ =	sdelay $0x3  }
0x36: {  	p1 =	seq.s32 s10, $0x1;
	s10 =	sld [smem:$0x3FBA];
	_ =	sdelay $0x3  }
0x37: {  	[smem:$0x3FBA] =	sst s10  }
0x38: {  	s10 =	sld [smem:$0x3FBB]  }
0x39: {  	_ = 	snop;
	(pc) =	sbr.ind lr, $3  }
0x3a: {  	_ = 	snop  }
0x3b: {  	_ = 	snop  }
0x3c: {  	p2 =	seq.s32 s10, $0x1;
	s10 =	sld [smem:$0x3FBA]  }
0x3d: {  	_ =	shalt  }
0x3e: {  	_ =	shalt  }
0x3f: {  	_ =	shalt  }
0x40: {  	_ =	shalt  }
0x41: {  	_ =	shalt  }
0x42: {  	_ =	shalt  }
0x43: {  	_ =	shalt  }
0x44: {  	_ =	shalt  }
0x45: {  	_ =	shalt  }
0x46: {  	_ =	shalt  }
0x47: {  	_ =	shalt  }
0x48: {  	_ =	shalt  }
0x49: {  	_ =	shalt  }
0x4a: {  	_ =	shalt  }
0x4b: {  	_ =	shalt  }
0x4c: {  	_ =	shalt  }
0x4d: {  	_ =	shalt  }
0x4e: {  	_ =	shalt  }
0x4f: {  	_ =	shalt  }
0x50: {  	_ =	shalt  }
0x51: {  	_ =	shalt  }
0x52: {  	_ =	shalt  }
0x53: {  	_ =	shalt  }
0x54: {  	_ =	shalt  }
0x55: {  	_ =	shalt  }
0x56: {  	_ =	shalt  }
0x57: {  	_ =	shalt  }
0x58: {  	_ =	shalt  }
0x59: {  	_ =	shalt  }
0x5a: {  	_ =	shalt  }
0x5b: {  	_ =	shalt  }
0x5c: {  	_ =	shalt  }
0x5d: {  	_ =	shalt  }
0x5e: {  	_ =	shalt  }
0x5f: {  	_ =	shalt  }
0x60: {  	_ =	shalt  }
0x61: {  	_ =	shalt  }
0x62: {  	_ =	shalt  }
0x63: {  	_ =	shalt  }
0x64: {  	_ =	shalt  }
0x65: {  	_ =	shalt  }
0x66: {  	_ =	shalt  }
0x67: {  	_ =	shalt  }
0x68: {  	_ =	shalt  }
0x69: {  	_ =	shalt  }
0x6a: {  	_ =	shalt  }
0x6b: {  	_ =	shalt  }
0x6c: {  	_ =	shalt  }
0x6d: {  	_ =	shalt  }
0x6e: {  	_ =	shalt  }
0x6f: {  	_ =	shalt  }
0x70: {  	_ =	shalt  }
0x71: {  	_ =	shalt  }
0x72: {  	_ =	shalt  }
0x73: {  	_ =	shalt  }
0x74: {  	_ =	shalt  }
0x75: {  	_ =	shalt  }
0x76: {  	_ =	shalt  }
0x77: {  	_ =	shalt  }
0x78: {  	_ =	shalt  }
0x79: {  	_ =	shalt  }
0x7a: {  	_ =	shalt  }
0x7b: {  	_ =	shalt  }
0x7c: {  	_ =	shalt  }
0x7d: {  	_ =	shalt  }
0x7e: {  	_ =	shalt  }
0x7f: {  	_ =	shalt  }
0x80: {  	_ =	shalt  }
0x81: {  	_ =	shalt  }
0x82: {  	_ =	shalt  }
0x83: {  	_ =	shalt  }
0x84: {  	_ =	shalt  }
0x85: {  	_ =	shalt  }
0x86: {  	_ =	shalt  }
0x87: {  	_ =	shalt  }
.Lfunc_end0:
.L_simem_size_0:
called_computation_lowered:
.L_overlay_start_0:
0x88: {  	s2 =	sld [smem:$0x3FD9]  }
0x89: {  	s3 =	sld [smem:$0x3FFE];
	_ =	sdelay $0x1  }
0x8a: {  	s1 =	srdreg.scid  }
0x8b: {  	s0 =	sand.u32 $0x1, s1  }
0x8c: {  	s17 =	sshll.u32 s0, $0xA;
	s2 =	sadd.s32 s3, s2  }
0x8d: {  	s2 =	sadd.s32 s2, s17  }
0x8e: {  	[smem:$0x3FC6] =	sst s2  }
0x8f: {  	_ = 	snop  }
0x90: {  	s2 =	sld [smem:$0x3FC8]  }
0x91: {  	s18 =	sld [smem:$0x3FD0];
	(tm) =	ssettm $0x1  }
0x92: {  	s4 =	sld [smem:$0x3FFB];
	_ =	sdelay $0x3  }
0x93: {  	_ =	strace s4  }
0x94: {  	s4 =	sld [smem:$0x3FFC];
	_ =	sdelay $0x3  }
0x95: {  	_ =	strace s4  }
0x96: {  	s4 =	sld [smem:$0x3FFD];
	_ =	sdelay $0x3  }
0x97: {  	_ =	strace s4  }
0x98: {  	_ =	strace $0x8FFFFFFF  }
0x99: {  	s19 =	sld [smem:$0x3FDB];
	_ =	sdelay $0x1  }
0x9a: {  	s5 =	simm.s32 $_scs_section_size  }
0x9b: {  	s6 =	simm.s32 $_size__tile_overlayer_lowered;
	s7 =	simm.s32 $_tile_overlayer_lowered  }
0x9c: {  	s22 =	simm.s32 $0x1BFF;
	s21 =	sshll.u32 s7, $0x1;
	s4 =	sadd.s32 s5, s19  }
0x9d: {  	s8 =	simm.s32 $0x0;
	s20 =	sshll.u32 s6, $0x1;
	s6 =	sadd.s32 s21, s4  }
0x9e: {  	[timem:s8], [sflag:s22] =	dma.local [hbm:s6], s20  }
0x9f: {  	_ =	swait.ge [sflag:s22], s20  }
0xa0: {  	s5 =	ssub.s32 $0x0, s20;
	[sflag:s22] =	ssyncset.done $0x0  }
0xa1: {  	[sflag:s22] =	ssyncadd.s32 s5;
	_ =	sdelay $0x1  }
0xa2: {  	s23 =	simm.s32 $0x1B8B  }
0xa3: {  	_ =	swait.ge [sflag:s23], $0x1  }
0xa4: {  	[sflag:s23] =	ssyncset.done $0x0  }
0xa5: {  	s25 =	simm.s32 $0x1B8E;
	s24 =	sld [smem:$0x3FFE];
	[sflag:s23] =	ssyncadd.s32 $0xFFFFFFFF  }
0xa6: {  	s26 =	simm.s32 $execute0_lowered;
	[smem:$0x3FD2] =	sst s25  }
0xa7: {  	s6 =	sshll.u32 s26, $0x1;
	_ =	strace $0x80000046;
	[dreg:$0x1] =	wrdreg $0xFFFFFFFF  }
0xa8: {  	s28 =	simm.s32 $_size_execute0_lowered;
	s4 =	sadd.s32 s4, s6;
	[dreg:$0x0] =	wrdreg $0x0  }
0xa9: {  	s6 =	sshll.u32 s28, $0x1;
	[dreg:$0x2] =	wrdreg s4  }
0xaa: {  	[dreg:$0x3] =	wrdreg s6  }
0xab: {  	[dreg:$0x4] =	wrdreg $0xC0  }
0xac: {  	_ =	task [dreg:s8], $0x5FFFF  }
0xad: {  	[dreg:$0x1] =	wrdreg $0xFFFFFFFF  }
0xae: {  	[dreg:$0x0] =	wrdreg $0x60  }
0xaf: {  	[dreg:$0x2] =	wrdreg s24  }
0xb0: {  	[dreg:$0x3] =	wrdreg s2  }
0xb1: {  	[dreg:$0x4] =	wrdreg s18  }
0xb2: {  	[dreg:$0x5] =	wrdreg $0x144000  }
0xb3: {  	[dreg:$0x6] =	wrdreg $0x9  }
0xb4: {  	_ =	task.clear_ibuf [dreg:s8], $0x7FFFF;
	_ =	strace $0x90000046  }
0xb5: {  	s29 =	simm.s32 $0x9;
	_ =	strace $0x80000048  }
0xb6: {  	_ =	swait.ge [sflag:s29], $0x1  }
0xb7: {  	[sflag:s29] =	ssyncadd.s32 $0xFFFFFFFF  }
0xb8: {  	_ =	strace $0x90000048  }
0xb9: {  	_ =	sfence  }
0xba: {  	s30 =	sld [smem:$0x0];
	_ =	sdelay $0x2  }
0xbb: {  	s31 =	sshll.u32 s1, $0xD;
	s1 =	sshrl.u32 s1, $0x2  }
0xbc: {  	s3 =	sand.u32 $0x4000, s31;
	s1 =	sadd.s32 s1, s30  }
0xbd: {  	s0 =	sor.u32 s3, s0;
	s1 =	sshll.u32 s1, $0x11  }
0xbe: {  	s0 =	sor.u32 s1, s0  }
0xbf: {  	s0 =	sadd.s32 $0x8F2B, s0  }
0xc0: {  	[sflag:s0] =	ssyncadd.remote.s32 $0x1  }
0xc1: {  	_ =	sfence.sel $0xFFFF  }
0xc2: {  	[dreg:$0x0] =	wrdreg $0xFFFFFFFF;
	(pc) =	sbr.abs _section_cstart, $3  }
0xc3: {  	[dreg:$0x1] =	wrdreg $0xFFFFFFFF  }
0xc4: {  	_ =	task.clear_ibuf [dreg:s8], $0x2FFFF;
	_ =	strace $0x9FFFFFFF  }
0xc5: {  	(tm) =	ssettm $0x7FFFFFFF  }
tec
execute0_lowered:
.L_overlay_start_1:
0x0: {  	(tag) =	ssettag $0x1  }
0x1: {  	s0 =	rddreg [dreg:$0x0]  }
0x2: {  	s1 =	rddreg [dreg:$0x2];
	s3 =	srdreg.scid  }
0x3: {  	s5 =	stileid.u32;
	s2 =	rddreg [dreg:$0x3]  }
0x4: {  	s14 =	simm.s32 $0x80;
	s19 =	simm.s32 $0x4400;
	s20 =	simm.s32 $0xD  }
0x5: {  	s28 =	simm.s32 $0x2;
	s29 =	simm.s32 $0xF;
	s30 =	simm.s32 $0x10400  }
0x6: {  	s31 =	simm.s32 $0x3;
	s17 =	simm.s32 $0x100;
	s21 =	smul.u32 $0x32000, s5  }
0x7: {  	s6 =	sand.u32 $0x1, s3;
	s4 =	sshll.u32 s5, $0x1;
	s22 =	smul.u32 $0x320000, s5  }
0x8: {  	s3 =	simm.s32 $0x0;
	s4 =	sor.u32 s6, s4;
	s9 =	smul.u32 $0x19000, s6  }
0x9: {  	[smem:$0x7FF] =	sst s3;
	s8 =	ssub.s32 $0x2, s6;
	s6 =	smul.u32 $0x190000, s6  }
0xa: {  	p0 =	sne.s32 s5, $0x0;
	s7 =	smul.u32 $0x19000, s4;
	_ =	strace $0x80000047  }
0xb: {  	s4 =	sadd.s32 $0x400, s0;
	s10 =	sshrl.u32 s8, $0x1;
	s1 =	sadd.s32 s22, s1  }
0xc: {  	s22 =	simm.s32 $0x180;
	s8 =	ssub.s32 s8, s10;
	s0 =	sadd.s32 s9, s21  }
0xd: {  	s1 =	sadd.s32 s6, s1;
	s21 =	simm.s32 $0x8400;
	s6 =	simm.s32 $0x7  }
0xe: {  	s7 =	sshrl.u32 s7, $0x3;
	s26 =	smax.u32 s8, $0x1;
	s10 =	sor.u32 $0x400, s0  }
0xf: {  	s1 =	sadd.s32 $0x1000, s1;
	s12 =	sshrl.u32 s0, $0x3;
	[dreg:$0x9] =	wrdreg s26  }
0x10: {  	s0 =	sshrl.u32 @!p0 s2, $0x3;
	s8 =	simm.s32 $0x8;
	[dreg:$0xa] =	wrdreg s1  }
0x11: {  	s11 =	sadd.s32 s4, s7;
	[dreg:$0xb] =	wrdreg s0;
	s26 =	simm.s32 $0x200  }
.Ltmp0:
0x12: {  	s23 =	sadd.s32 $0x10, s11;
	[dreg:$0x5] =	wrdreg s11;
	(pc) =	sbr.rel .LBB2_1-.Ltmp0, $4  }
0x13: {  	s1 =	simm.s32 $0x6;
	s24 =	sadd.s32 $0x20, s11;
	[dreg:$0x6] =	wrdreg s23  }
0x14: {  	s0 =	simm.s32 $0x4;
	s25 =	sadd.s32 $0x30, s11;
	[dreg:$0x7] =	wrdreg s24  }
0x15: {  	s7 =	simm.s32 $0x5;
	s11 =	simm.s32 $0x0;
	[dreg:$0x8] =	wrdreg s25  }
0x16: {  	s23 =	simm.s32 $0x1;
	s24 =	simm.s32 $0xE;
	s25 =	simm.s32 $0xC400  }
.LBB2_4:
0x17: {  	s5 =	simm.s32 $0x9  }
0x18: {  	_ =	swait.ge [sflag:s5], $0x4000  }
0x19: {  	[sflag:s5] =	ssyncset.done $0x0  }
0x1a: {  	s9 =	simm.s32 $0xA;
	[sflag:s5] =	ssyncadd.s32 $0xFFFFC000  }
0x1b: {  	_ =	swait.ge [sflag:s9], $0x4000  }
0x1c: {  	s11 =	rddreg [dreg:$0xc]  }
0x1d: {  	s18 =	rddreg [dreg:$0x9];
	s11 =	sadd.s32 $0x1, s11  }
0x1e: {  	p1 =	sne.s32 s11, s18  }
.Ltmp1:
0x1f: {  	_ = 	snop;
	(pc) =	sbr.rel @!p1 .LBB2_5-.Ltmp1, $3  }
0x20: {  	_ =	sdelay $0x1  }
0x21: {  	[sflag:s9] =	ssyncset.done $0x0  }
0x22: {  	[sflag:s9] =	ssyncadd.s32 $0xFFFFC000  }
.LBB2_1:
0x23: {  	[dreg:$0xc] =	wrdreg s11  }
0x24: {  	s9 =	rddreg [dreg:$0x1]  }
0x25: {  	s5 =	simm.s32 @!p0 $0x1C10;
	s11 =	rddreg [dreg:$0xb]  }
0x26: {  	[spmem:s11], [sflag:s5] =	dma.local @!p0 [hbm:s9], $0x200  }
0x27: {  	s5 =	simm.s32 @!p0 $0x10  }
0x28: {  	_ =	swait.ge @!p0 [sflag:s5], $0x200  }
0x29: {  	[sflag:s5] =	ssyncset.done @!p0 $0x0  }
0x2a: {  	[sflag:s5] =	ssyncadd.s32 @!p0 $0xFFFFFE00  }
0x2b: {  	[bflag:$0x0] =	sbarrier.arrive $0xFFFF  }
0x2c: {  	s16 =	rddreg [dreg:$0x5]  }
0x2d: {  	[tilespmem:s3], [sflag:$0xB] =	stream.linear.gather [hbm4b:s16+s3], $0x80, $0x38;
	[tilespmem:$0x14500] =	vst v63  }
0x2e: {  	s18 =	rddreg [dreg:$0x6]  }
0x2f: {  	[tilespmem:s14], [sflag:$0xC] =	stream.linear.gather [hbm4b:s18+s3], $0x80, $0x38;
	[tilespmem:$0x14500] =	vst v63  }
0x30: {  	s13 =	simm.s32 $0xB;
	s11 =	simm.s32 $0x100;
	s9 =	rddreg [dreg:$0x7]  }
0x31: {  	[tilespmem:s11], [sflag:$0xD] =	stream.linear.gather [hbm4b:s9+s3], $0x80, $0x38;
	[tilespmem:$0x14500] =	vst v63  }
0x32: {  	_ =	swait.ge [sflag:s13], $0x80  }
0x33: {  	[sflag:s13] =	ssyncset.done $0x0  }
0x34: {  	s15 =	simm.s32 $0x400;
	s16 =	simm.s32 $0xC;
	[sflag:s13] =	ssyncadd.s32 $0xFFFFFF80  }
0x35: {  	[tilespmem:s15], [sflag:$0x1] =	stream.indirect.gather [spmem:s2], $0x80, s3, s14, $0xb8;
	[tilespmem:$0x14500] =	vst v63  }
0x36: {  	_ =	swait.ge [sflag:s16], $0x80  }
0x37: {  	[sflag:s16] =	ssyncset.done $0x0  }
0x38: {  	[sflag:s16] =	ssyncadd.s32 $0xFFFFFF80  }
0x39: {  	[tilespmem:s19], [sflag:$0x2] =	stream.indirect.gather [spmem:s2], $0x80, s14, s14, $0xb8;
	[tilespmem:$0x14500] =	vst v63  }
0x3a: {  	_ =	swait.ge [sflag:s20], $0x80  }
0x3b: {  	[sflag:s20] =	ssyncset.done $0x0  }
0x3c: {  	[sflag:s20] =	ssyncadd.s32 $0xFFFFFF80  }
0x3d: {  	[tilespmem:s21], [sflag:$0x3] =	stream.indirect.gather [spmem:s2], $0x80, s11, s14, $0xb8;
	[tilespmem:$0x14500] =	vst v63  }
0x3e: {  	s18 =	rddreg [dreg:$0x8]  }
0x3f: {  	[tilespmem:s22], [sflag:$0xE] =	stream.linear.gather [hbm4b:s18+s3], $0x80, $0x38;
	[tilespmem:$0x14500] =	vst v63  }
0x40: {  	s5 =	simm.s32 $0x0;
	s16 =	rddreg [dreg:$0xa];
	s18 =	simm.s32 $0x0  }
.LBB2_2:
0x41: {  	_ =	swait.ge [sflag:s23], $0x4000  }
0x42: {  	s9 =	sadd.s32 $0xFFFFF000, s16;
	[sflag:s23] =	ssyncset.done $0x0  }
0x43: {  	s11 =	simm.s32 $0x400;
	p1 =	seq.s32 s5, $0x0;
	[sflag:s23] =	ssyncadd.s32 $0xFFFFC000  }
0x44: {  	[hbm4b:s9+s3] =	stream.linear.scatter [tilespmem:s11], [sflag:$0x6], $0x4000, $0x38;
	[tilespmem:$0x14500] =	vst v63  }
0x45: {  	s9 =	simm.s32 @!p1 $0x9  }
0x46: {  	_ =	swait.ge @!p1 [sflag:s9], $0x4000  }
0x47: {  	[sflag:s9] =	ssyncset.done @!p1 $0x0  }
0x48: {  	[sflag:s9] =	ssyncadd.s32 @!p1 $0xFFFFC000  }
0x49: {  	s13 =	sadd.s32 $0x40, s5;
	_ =	swait.ge [sflag:s24], $0x80  }
0x4a: {  	s15 =	sadd.s32 s12, s13;
	s9 =	sand.u32 $0x70, s13;
	[sflag:s24] =	ssyncset.done $0x0  }
0x4b: {  	s11 =	sand.u32 $0xFFFFF80, s15;
	s9 =	sadd.s32 s4, s9;
	[sflag:s24] =	ssyncadd.s32 $0xFFFFFF80  }
0x4c: {  	[tilespmem:s25], [sflag:$0x4] =	stream.indirect.gather [spmem:s2], $0x80, s22, s14, $0xb8;
	[tilespmem:$0x14500] =	vst v63  }
0x4d: {  	s9 =	sadd.s32 s11, s9  }
0x4e: {  	[tilespmem:s26], [sflag:$0xF] =	stream.linear.gather [hbm4b:s9+s3], $0x80, $0x38;
	[tilespmem:$0x14500] =	vst v63  }
0x4f: {  	_ =	swait.ge [sflag:s28], $0x4000  }
0x50: {  	[sflag:s28] =	ssyncset.done $0x0  }
0x51: {  	s13 =	sadd.s32 $0xFFFFF800, s16;
	s9 =	simm.s32 @!p1 $0xA;
	[sflag:s28] =	ssyncadd.s32 $0xFFFFC000  }
0x52: {  	[hbm4b:s13+s3] =	stream.linear.scatter [tilespmem:s19], [sflag:$0x7], $0x4000, $0x38;
	[tilespmem:$0x14500] =	vst v63  }
0x53: {  	_ =	swait.ge @!p1 [sflag:s9], $0x4000  }
0x54: {  	[sflag:s9] =	ssyncset.done @!p1 $0x0  }
0x55: {  	[sflag:s9] =	ssyncadd.s32 @!p1 $0xFFFFC000;
	p1 =	seq.s32 s5, $0x31B0  }
0x56: {  	_ =	swait.ge [sflag:s29], $0x80;
	s9 =	sadd.s32 @!p1 $0x50, s5  }
0x57: {  	[sflag:s29] =	ssyncset.done $0x0;
	s11 =	sadd.s32 @!p1 s12, s9;
	s9 =	sand.u32 @!p1 $0x70, s9  }
0x58: {  	[sflag:s29] =	ssyncadd.s32 $0xFFFFFF80;
	s11 =	sand.u32 @!p1 $0xFFFFF80, s11;
	s9 =	sadd.s32 @!p1 s4, s9  }
0x59: {  	[tilespmem:s30], [sflag:$0x5] =	stream.indirect.gather [spmem:s2], $0x80, s26, s14, $0xb8;
	[tilespmem:$0x14500] =	vst v63  }
0x5a: {  	s9 =	sadd.s32 @!p1 s11, s9;
	s11 =	simm.s32 @!p1 $0x0  }
0x5b: {  	[tilespmem:s11], [sflag:$0xB] =	stream.linear.gather @!p1 [hbm4b:s9+s11], $0x80, $0x38;
	[tilespmem:$0x14500] =	vst v63  }
0x5c: {  	_ =	swait.ge [sflag:s31], $0x4000  }
0x5d: {  	[sflag:s31] =	ssyncset.done $0x0  }
0x5e: {  	[sflag:s31] =	ssyncadd.s32 $0xFFFFC000  }
0x5f: {  	[hbm4b:s16+s3] =	stream.linear.scatter [tilespmem:s21], [sflag:$0x8], $0x4000, $0x38;
	[tilespmem:$0x14500] =	vst v63  }
0x60: {  	_ =	swait.ge [sflag:s1], $0x4000  }
0x61: {  	[sflag:s1] =	ssyncset.done $0x0  }
0x62: {  	s9 =	simm.s32 @!p1 $0xB;
	[sflag:s1] =	ssyncadd.s32 $0xFFFFC000  }
0x63: {  	_ =	swait.ge @!p1 [sflag:s9], $0x80  }
0x64: {  	[sflag:s9] =	ssyncset.done @!p1 $0x0  }
0x65: {  	s13 =	simm.s32 @!p1 $0x400;
	[sflag:s9] =	ssyncadd.s32 @!p1 $0xFFFFFF80;
	s9 =	simm.s32 @!p1 $0x80  }
0x66: {  	[tilespmem:s13], [sflag:$0x1] =	stream.indirect.gather @!p1 [spmem:s2], $0x80, s11, s9, $0xb8;
	[tilespmem:$0x14500] =	vst v63  }
0x67: {  	s13 =	sadd.s32 @!p1 $0x60, s5  }
0x68: {  	s15 =	sadd.s32 @!p1 s12, s13;
	s13 =	sand.u32 @!p1 $0x70, s13  }
0x69: {  	s15 =	sand.u32 @!p1 $0xFFFFF80, s15;
	s13 =	sadd.s32 @!p1 s4, s13  }
0x6a: {  	s13 =	sadd.s32 @!p1 s15, s13  }
0x6b: {  	[tilespmem:s9], [sflag:$0xC] =	stream.linear.gather @!p1 [hbm4b:s13+s11], $0x80, $0x38;
	[tilespmem:$0x14500] =	vst v63  }
0x6c: {  	_ =	swait.ge [sflag:s0], $0x4000  }
0x6d: {  	[sflag:s0] =	ssyncset.done $0x0  }
0x6e: {  	s15 =	sadd.s32 $0x800, s16;
	[sflag:s0] =	ssyncadd.s32 $0xFFFFC000  }
0x6f: {  	[hbm4b:s15+s3] =	stream.linear.scatter [tilespmem:s25], [sflag:$0x9], $0x4000, $0x38;
	[tilespmem:$0x14500] =	vst v63  }
0x70: {  	_ =	swait.ge [sflag:s6], $0x4000  }
0x71: {  	[sflag:s6] =	ssyncset.done $0x0  }
0x72: {  	s13 =	simm.s32 @!p1 $0xC;
	[sflag:s6] =	ssyncadd.s32 $0xFFFFC000  }
0x73: {  	_ =	swait.ge @!p1 [sflag:s13], $0x80  }
0x74: {  	[sflag:s13] =	ssyncset.done @!p1 $0x0  }
0x75: {  	[sflag:s13] =	ssyncadd.s32 @!p1 $0xFFFFFF80;
	s13 =	simm.s32 @!p1 $0x4400  }
0x76: {  	[tilespmem:s13], [sflag:$0x2] =	stream.indirect.gather @!p1 [spmem:s2], $0x80, s9, s9, $0xb8;
	[tilespmem:$0x14500] =	vst v63  }
0x77: {  	s9 =	sadd.s32 @!p1 $0x70, s5  }
0x78: {  	s13 =	sadd.s32 @!p1 s12, s9;
	s9 =	sand.u32 @!p1 $0x70, s9  }
0x79: {  	s13 =	sand.u32 @!p1 $0xFFFFF80, s13;
	s9 =	sadd.s32 @!p1 s4, s9  }
0x7a: {  	s9 =	sadd.s32 @!p1 s13, s9;
	s13 =	simm.s32 @!p1 $0x100  }
0x7b: {  	[tilespmem:s13], [sflag:$0xD] =	stream.linear.gather @!p1 [hbm4b:s9+s11], $0x80, $0x38;
	[tilespmem:$0x14500] =	vst v63  }
0x7c: {  	_ =	swait.ge [sflag:s7], $0x4000  }
0x7d: {  	[sflag:s7] =	ssyncset.done $0x0  }
.Ltmp2:
0x7e: {  	s15 =	sadd.s32 $0x1000, s16;
	[sflag:s7] =	ssyncadd.s32 $0xFFFFC000;
	(pc) =	sbr.rel @p1 .LBB2_4-.Ltmp2, $4  }
0x7f: {  	[hbm4b:s15+s3] =	stream.linear.scatter [tilespmem:s30], [sflag:$0xA], $0x4000, $0x38;
	[tilespmem:$0x14500] =	vst v63  }
0x80: {  	_ =	swait.ge [sflag:s8], $0x4000  }
0x81: {  	[sflag:s8] =	ssyncset.done $0x0  }
0x82: {  	[sflag:s8] =	ssyncadd.s32 $0xFFFFC000  }
0x83: {  	_ =	swait.ge [sflag:s20], $0x80;
	s9 =	sadd.s32 s18, s10  }
0x84: {  	s11 =	sand.u32 $0x380, s18;
	[sflag:s20] =	ssyncset.done $0x0;
	s9 =	sand.u32 $0x7FFFFC00, s9  }
.Ltmp3:
0x85: {  	[sflag:s20] =	ssyncadd.s32 $0xFFFFFF80;
	s9 =	sor.u32 s11, s9;
	(pc) =	sbr.rel .LBB2_2-.Ltmp3, $4  }
0x86: {  	[tilespmem:s21], [sflag:$0x3] =	stream.indirect.gather [spmem:s2], $0x80, s17, s14, $0xb8;
	[tilespmem:$0x14500] =	vst v63  }
0x87: {  	s18 =	sadd.s32 $0x280, s18;
	s9 =	sshrl.u32 s9, $0x3  }
0x88: {  	s16 =	sadd.s32 $0x2800, s16;
	s5 =	sadd.s32 $0x50, s5;
	s9 =	sadd.s32 s4, s9  }
0x89: {  	[tilespmem:s22], [sflag:$0xE] =	stream.linear.gather [hbm4b:s9+s3], $0x80, $0x38;
	[tilespmem:$0x14500] =	vst v63  }
.LBB2_5:
0x8a: {  	_ =	sfence.sel $0x180000  }
0x8b: {  	[bflag:$0x0] =	sbarrier.arrive $0xFFFF  }
0x8c: {  	_ =	strace $0x90000047  }
0x8d: {  	[bflag:$0x2] =	sbarrier.arrive $0xFFFF  }
0x8e: {  	s0 =	rddreg [dreg:$0x4]  }
0x8f: {  	s0 =	sadd.s32 @!p0 $0x100000, s0  }
0x90: {  	[sflag:s0] =	ssyncadd.tile.s32 @!p0 $0x1;
	_ =	shalt  }
.Lfunc_end2:
_tile_overlayer_lowered:
.L_overlay_start_2:
0x91: {  	(tag) =	ssettag $0x2  }
0x92: {  	s0 =	rddreg [dreg:$0x0];
	s2 =	stileid.u32  }
0x93: {  	s1 =	rddreg [dreg:$0x1];
	p0 =	sne.s32 s2, $0x0  }
0x94: {  	s3 =	rddreg [dreg:$0x2];
	[bflag:$0x3] =	sbarrier.arrive $0xFFFF;
	s2 =	simm.s32 @!p0 $0x1C10  }
0x95: {  	[timem:s3], [sflag:s2] =	dma.local @!p0 [hbm:s0], s1  }
0x96: {  	s0 =	simm.s32 @!p0 $0x10  }
0x97: {  	_ =	swait.ge @!p0 [sflag:s0], s1  }
0x98: {  	s1 =	ssub.s32 @!p0 $0x0, s1;
	[sflag:s0] =	ssyncset.done @!p0 $0x0  }
0x99: {  	[sflag:s0] =	ssyncadd.s32 @!p0 s1  }
0x9a: {  	[bflag:$0x3] =	sbarrier.arrive $0xFFFF  }
0x9b: {  	_ =	shalt  }

</sc_bundles>
